<compile_context>
chip_gen: v7x
topology: tpu7x:2x2x1
jax: 0.10.2.dev20260603
libtpu: 0.0.44.dev20260713+nightly
codegen_flags: <defaults>
</compile_context>

<pallas_src>
import functools

import jax
import jax.numpy as jnp
from jax import lax
from jax.experimental import pallas as pl
from jax.experimental.pallas import tpu as pltpu
from jax.experimental.pallas import tpu_sc as plsc

_STATE_DIM = 16
_NUM_AGENTS = 1024
_NUM_OBS = 2 ** _STATE_DIM
_L = 16
_NC = 1
_NS = 8
_NW = _NC * _NS
_CHUNK = _NUM_AGENTS // _NW
_RSQRT2 = 0.7071067811865476

_mesh = plsc.VectorSubcoreMesh(core_axis_name="c", subcore_axis_name="s",
                               num_cores=_NC, num_subcores=_NS)


@functools.partial(
    pl.kernel,
    mesh=_mesh,
    out_type=jax.ShapeDtypeStruct((2, _NUM_AGENTS), jnp.float32),
    scratch_types=[
        pltpu.VMEM((_L,), jnp.float32),
        pltpu.VMEM((_L,), jnp.int32),
        pltpu.VMEM((_CHUNK,), jnp.float32),
        pltpu.VMEM((2, _CHUNK), jnp.float32),
        pltpu.SemaphoreType.DMA,
    ],
)
def _logit_sc(state_hbm, table_hbm, sfn_hbm, out_hbm,
              state_v, sfn_v, row_v, pn_v, row_sem):
    wid = lax.axis_index("s") * _NC + lax.axis_index("c")
    base = wid * _CHUNK

    pltpu.sync_copy(state_hbm, state_v)
    sv = state_v[...]

    idx = jnp.int32(0)
    for i in range(_STATE_DIM):
        idx = idx + jnp.where(sv[i] > 0.0, jnp.int32(1 << i), jnp.int32(0))

    row_cp = pltpu.async_copy(table_hbm.at[idx, pl.ds(base, _CHUNK)], row_v,
                              row_sem)

    aligned = jnp.minimum((idx // 8) * 8, _NUM_OBS - _L)
    pltpu.sync_copy(sfn_hbm.at[pl.ds(aligned, _L)], sfn_v)
    off = idx - aligned
    fv = sfn_v[...]
    coord = jnp.int32(0)
    for i in range(_L):
        coord = coord + jnp.where(off == i, fv[i], jnp.int32(0))
    state_comp = jnp.float32(0.0)
    for i in range(_STATE_DIM):
        state_comp = state_comp + jnp.where(coord == i, sv[i], jnp.float32(0.0))

    row_cp.wait()

    for j in range(_CHUNK // _L):
        a0 = (state_comp + row_v[pl.ds(j * _L, _L)]) * _RSQRT2
        pn_v[0, pl.ds(j * _L, _L)] = a0
        pn_v[1, pl.ds(j * _L, _L)] = -a0

    pltpu.sync_copy(pn_v, out_hbm.at[pl.ds(0, 2), pl.ds(base, _CHUNK)])


def kernel(state, action_0_logits, state_fn):
    out2 = _logit_sc(state, action_0_logits, state_fn)
    return out2.T

# --- scband reference (transcript-rebuilt; emitter-appended) ---
"""Pipeline reference for scband-logit-73194832659168 (READ-ONLY COPY).

The authoritative reference and input builder live on the scoring server;
editing this copy changes nothing except your own understanding.
"""

import jax, jax.numpy as jnp
import numpy as np

STATE_DIM = 16
NUM_AGENTS = 1024
NUM_OBS = 2 ** STATE_DIM


def setup_inputs(seed: int = 0) -> dict:
    key = jax.random.key(seed)
    k1, k2, k3, k4 = jax.random.split(key, 4)
    state = jax.random.normal(k1, (STATE_DIM,), dtype=jnp.float32)
    # Learned/sampled parameters sized per init config.
    # action_at_corr1: per-agent reference action in {0, 1}
    action_at_corr1 = jax.random.randint(k3, (NUM_AGENTS,), 0, 2)
    # correlated gaussian logits approximated by iid normal draws (same shapes/math in forward)
    base_logits = jax.random.normal(k2, (NUM_OBS, NUM_AGENTS), dtype=jnp.float32)
    action_0_logits = base_logits * jnp.power(-1.0, action_at_corr1.astype(jnp.float32))[None, :]
    # state_fn: maps each observation index to a state coordinate in [0, STATE_DIM)
    state_fn = jax.random.randint(k4, (NUM_OBS,), 0, STATE_DIM)
    return {"state": state, "action_0_logits": action_0_logits, "state_fn": state_fn}


def reference(state, action_0_logits, state_fn):
    # obs2index: binarize state, convert to base-2 integer index
    obs = (state > 0).astype(jnp.int64)
    mask = (2 ** jnp.arange(state.shape[0])).astype(jnp.int64)
    state_idx = jnp.sum(mask * obs[None, :], axis=-1)  # shape [1]
    # embedding-style row gather from the logit table
    agent_component = action_0_logits[state_idx]  # [1, NUM_AGENTS]
    # double gather: state_fn[state_idx] then state[...]
    state_component = state[state_fn[state_idx]]  # [1]
    agent_weight_factor = 1.0
    action_0 = (state_component + agent_weight_factor * agent_component) / jnp.sqrt(1.0 + agent_weight_factor)
    return jnp.vstack([action_0, -action_0]).T  # [NUM_AGENTS, 2]

if __name__ == "__main__":
    import jax
    _d = setup_inputs()
    print(jax.jit(kernel)(*tuple(_d.values())))

</pallas_src>

<mosaic_0001>
#map = affine_map<(d0, d1) -> (0)>
#map1 = affine_map<(d0, d1) -> (0, 0)>
module attributes {stable_mosaic.version = 14 : i64} {
  func.func @_logit_sc(%arg0: i32, %arg1: i32, %arg2: memref<16xf32, #tpu.memory_space<hbm>>, %arg3: memref<65536x1024xf32, #tpu.memory_space<hbm>>, %arg4: memref<65536xi32, #tpu.memory_space<hbm>>, %arg5: memref<2x1024xf32, #tpu.memory_space<hbm>>, %arg6: memref<16xf32, #tpu.memory_space<vmem>>, %arg7: memref<16xi32, #tpu.memory_space<vmem>>, %arg8: memref<128xf32, #tpu.memory_space<vmem>>, %arg9: memref<2x128xf32, #tpu.memory_space<vmem>>, %arg10: memref<!tpu.dma_semaphore, #tpu.memory_space<semaphore_mem>>) attributes {dimension_semantics = [#tpu.dimension_semantics<core_parallel>, #tpu.dimension_semantics<subcore_parallel>], iteration_bounds = array<i64: 1, 8>, scalar_prefetch = 0 : i64, scratch_operands = 5 : i64, tpu.core_type = #tpu.core_type<sc_vector_subcore>, window_params = [{transform_indices = #map}, {transform_indices = #map1}, {transform_indices = #map}, {transform_indices = #map1}]} {
    %mul3A = arith.constant 1 : i32
    %mul3A_0 = arith.muli %arg1, %mul3A : i32
    %add3A = arith.addi %mul3A_0, %arg0 : i32
    %mul3A_1 = arith.constant 128 : i32
    %mul3A_2 = arith.muli %add3A, %mul3A_1 : i32
    "tpu.region"() ({
      %run_scoped3A = tpu.sem_alloc : memref<!tpu.dma_semaphore, #tpu.memory_space<semaphore_mem>>
      tpu.enqueue_dma source(%arg2 : memref<16xf32, #tpu.memory_space<hbm>>) target(%arg6 : memref<16xf32, #tpu.memory_space<vmem>>) target_semaphore(%run_scoped3A : memref<!tpu.dma_semaphore, #tpu.memory_space<semaphore_mem>>)
      tpu.wait_dma2 semaphore(%run_scoped3A : memref<!tpu.dma_semaphore, #tpu.memory_space<semaphore_mem>>) src(%arg2 : memref<16xf32, #tpu.memory_space<hbm>>) dst(%arg6 : memref<16xf32, #tpu.memory_space<vmem>>)
      tpu.yield
    }) : () -> ()
    %get3A = arith.constant 0 : index
    %get3A_3 = tpu.vector_load %arg6[%get3A] {strides = array<i32>} : memref<16xf32, #tpu.memory_space<vmem>>, vector<16xf32>,
    %get3A_4 = vector.shape_cast %get3A_3 : vector<16xf32> to vector<16xf32>
    %slice3A = vector.extract_strided_slice %get3A_4 {offsets = [0], sizes = [1], strides = [1]} : vector<16xf32> to vector<1xf32>
    %squeeze3A = vector.extract %slice3A[0] : f32 from vector<1xf32>
    %gt3A = arith.constant 0.000000e+00 : f32
    %gt3A_5 = arith.cmpf ogt, %squeeze3A, %gt3A : f32
    %jit3A = arith.constant 1 : i32
    %jit3A_6 = arith.constant 0 : i32
    %select_n3A = arith.select %gt3A_5, %jit3A, %jit3A_6 : i32
    %add3A_7 = arith.constant 0 : i32
    %add3A_8 = arith.addi %add3A_7, %select_n3A : i32
    %slice3A_9 = vector.extract_strided_slice %get3A_4 {offsets = [1], sizes = [1], strides = [1]} : vector<16xf32> to vector<1xf32>
    %squeeze3A_10 = vector.extract %slice3A_9[0] : f32 from vector<1xf32>
    %gt3A_11 = arith.constant 0.000000e+00 : f32
    %gt3A_12 = arith.cmpf ogt, %squeeze3A_10, %gt3A_11 : f32
    %jit3A_13 = arith.constant 2 : i32
    %jit3A_14 = arith.constant 0 : i32
    %select_n3A_15 = arith.select %gt3A_12, %jit3A_13, %jit3A_14 : i32
    %add3A_16 = arith.addi %add3A_8, %select_n3A_15 : i32
    %slice3A_17 = vector.extract_strided_slice %get3A_4 {offsets = [2], sizes = [1], strides = [1]} : vector<16xf32> to vector<1xf32>
    %squeeze3A_18 = vector.extract %slice3A_17[0] : f32 from vector<1xf32>
    %gt3A_19 = arith.constant 0.000000e+00 : f32
    %gt3A_20 = arith.cmpf ogt, %squeeze3A_18, %gt3A_19 : f32
    %jit3A_21 = arith.constant 4 : i32
    %jit3A_22 = arith.constant 0 : i32
    %select_n3A_23 = arith.select %gt3A_20, %jit3A_21, %jit3A_22 : i32
    %add3A_24 = arith.addi %add3A_16, %select_n3A_23 : i32
    %slice3A_25 = vector.extract_strided_slice %get3A_4 {offsets = [3], sizes = [1], strides = [1]} : vector<16xf32> to vector<1xf32>
    %squeeze3A_26 = vector.extract %slice3A_25[0] : f32 from vector<1xf32>
    %gt3A_27 = arith.constant 0.000000e+00 : f32
    %gt3A_28 = arith.cmpf ogt, %squeeze3A_26, %gt3A_27 : f32
    %jit3A_29 = arith.constant 8 : i32
    %jit3A_30 = arith.constant 0 : i32
    %select_n3A_31 = arith.select %gt3A_28, %jit3A_29, %jit3A_30 : i32
    %add3A_32 = arith.addi %add3A_24, %select_n3A_31 : i32
    %slice3A_33 = vector.extract_strided_slice %get3A_4 {offsets = [4], sizes = [1], strides = [1]} : vector<16xf32> to vector<1xf32>
    %squeeze3A_34 = vector.extract %slice3A_33[0] : f32 from vector<1xf32>
    %gt3A_35 = arith.constant 0.000000e+00 : f32
    %gt3A_36 = arith.cmpf ogt, %squeeze3A_34, %gt3A_35 : f32
    %jit3A_37 = arith.constant 16 : i32
    %jit3A_38 = arith.constant 0 : i32
    %select_n3A_39 = arith.select %gt3A_36, %jit3A_37, %jit3A_38 : i32
    %add3A_40 = arith.addi %add3A_32, %select_n3A_39 : i32
    %slice3A_41 = vector.extract_strided_slice %get3A_4 {offsets = [5], sizes = [1], strides = [1]} : vector<16xf32> to vector<1xf32>
    %squeeze3A_42 = vector.extract %slice3A_41[0] : f32 from vector<1xf32>
    %gt3A_43 = arith.constant 0.000000e+00 : f32
    %gt3A_44 = arith.cmpf ogt, %squeeze3A_42, %gt3A_43 : f32
    %jit3A_45 = arith.constant 32 : i32
    %jit3A_46 = arith.constant 0 : i32
    %select_n3A_47 = arith.select %gt3A_44, %jit3A_45, %jit3A_46 : i32
    %add3A_48 = arith.addi %add3A_40, %select_n3A_47 : i32
    %slice3A_49 = vector.extract_strided_slice %get3A_4 {offsets = [6], sizes = [1], strides = [1]} : vector<16xf32> to vector<1xf32>
    %squeeze3A_50 = vector.extract %slice3A_49[0] : f32 from vector<1xf32>
    %gt3A_51 = arith.constant 0.000000e+00 : f32
    %gt3A_52 = arith.cmpf ogt, %squeeze3A_50, %gt3A_51 : f32
    %jit3A_53 = arith.constant 64 : i32
    %jit3A_54 = arith.constant 0 : i32
    %select_n3A_55 = arith.select %gt3A_52, %jit3A_53, %jit3A_54 : i32
    %add3A_56 = arith.addi %add3A_48, %select_n3A_55 : i32
    %slice3A_57 = vector.extract_strided_slice %get3A_4 {offsets = [7], sizes = [1], strides = [1]} : vector<16xf32> to vector<1xf32>
    %squeeze3A_58 = vector.extract %slice3A_57[0] : f32 from vector<1xf32>
    %gt3A_59 = arith.constant 0.000000e+00 : f32
    %gt3A_60 = arith.cmpf ogt, %squeeze3A_58, %gt3A_59 : f32
    %jit3A_61 = arith.constant 128 : i32
    %jit3A_62 = arith.constant 0 : i32
    %select_n3A_63 = arith.select %gt3A_60, %jit3A_61, %jit3A_62 : i32
    %add3A_64 = arith.addi %add3A_56, %select_n3A_63 : i32
    %slice3A_65 = vector.extract_strided_slice %get3A_4 {offsets = [8], sizes = [1], strides = [1]} : vector<16xf32> to vector<1xf32>
    %squeeze3A_66 = vector.extract %slice3A_65[0] : f32 from vector<1xf32>
    %gt3A_67 = arith.constant 0.000000e+00 : f32
    %gt3A_68 = arith.cmpf ogt, %squeeze3A_66, %gt3A_67 : f32
    %jit3A_69 = arith.constant 256 : i32
    %jit3A_70 = arith.constant 0 : i32
    %select_n3A_71 = arith.select %gt3A_68, %jit3A_69, %jit3A_70 : i32
    %add3A_72 = arith.addi %add3A_64, %select_n3A_71 : i32
    %slice3A_73 = vector.extract_strided_slice %get3A_4 {offsets = [9], sizes = [1], strides = [1]} : vector<16xf32> to vector<1xf32>
    %squeeze3A_74 = vector.extract %slice3A_73[0] : f32 from vector<1xf32>
    %gt3A_75 = arith.constant 0.000000e+00 : f32
    %gt3A_76 = arith.cmpf ogt, %squeeze3A_74, %gt3A_75 : f32
    %jit3A_77 = arith.constant 512 : i32
    %jit3A_78 = arith.constant 0 : i32
    %select_n3A_79 = arith.select %gt3A_76, %jit3A_77, %jit3A_78 : i32
    %add3A_80 = arith.addi %add3A_72, %select_n3A_79 : i32
    %slice3A_81 = vector.extract_strided_slice %get3A_4 {offsets = [10], sizes = [1], strides = [1]} : vector<16xf32> to vector<1xf32>
    %squeeze3A_82 = vector.extract %slice3A_81[0] : f32 from vector<1xf32>
    %gt3A_83 = arith.constant 0.000000e+00 : f32
    %gt3A_84 = arith.cmpf ogt, %squeeze3A_82, %gt3A_83 : f32
    %jit3A_85 = arith.constant 1024 : i32
    %jit3A_86 = arith.constant 0 : i32
    %select_n3A_87 = arith.select %gt3A_84, %jit3A_85, %jit3A_86 : i32
    %add3A_88 = arith.addi %add3A_80, %select_n3A_87 : i32
    %slice3A_89 = vector.extract_strided_slice %get3A_4 {offsets = [11], sizes = [1], strides = [1]} : vector<16xf32> to vector<1xf32>
    %squeeze3A_90 = vector.extract %slice3A_89[0] : f32 from vector<1xf32>
    %gt3A_91 = arith.constant 0.000000e+00 : f32
    %gt3A_92 = arith.cmpf ogt, %squeeze3A_90, %gt3A_91 : f32
    %jit3A_93 = arith.constant 2048 : i32
    %jit3A_94 = arith.constant 0 : i32
    %select_n3A_95 = arith.select %gt3A_92, %jit3A_93, %jit3A_94 : i32
    %add3A_96 = arith.addi %add3A_88, %select_n3A_95 : i32
    %slice3A_97 = vector.extract_strided_slice %get3A_4 {offsets = [12], sizes = [1], strides = [1]} : vector<16xf32> to vector<1xf32>
    %squeeze3A_98 = vector.extract %slice3A_97[0] : f32 from vector<1xf32>
    %gt3A_99 = arith.constant 0.000000e+00 : f32
    %gt3A_100 = arith.cmpf ogt, %squeeze3A_98, %gt3A_99 : f32
    %jit3A_101 = arith.constant 4096 : i32
    %jit3A_102 = arith.constant 0 : i32
    %select_n3A_103 = arith.select %gt3A_100, %jit3A_101, %jit3A_102 : i32
    %add3A_104 = arith.addi %add3A_96, %select_n3A_103 : i32
    %slice3A_105 = vector.extract_strided_slice %get3A_4 {offsets = [13], sizes = [1], strides = [1]} : vector<16xf32> to vector<1xf32>
    %squeeze3A_106 = vector.extract %slice3A_105[0] : f32 from vector<1xf32>
    %gt3A_107 = arith.constant 0.000000e+00 : f32
    %gt3A_108 = arith.cmpf ogt, %squeeze3A_106, %gt3A_107 : f32
    %jit3A_109 = arith.constant 8192 : i32
    %jit3A_110 = arith.constant 0 : i32
    %select_n3A_111 = arith.select %gt3A_108, %jit3A_109, %jit3A_110 : i32
    %add3A_112 = arith.addi %add3A_104, %select_n3A_111 : i32
    %slice3A_113 = vector.extract_strided_slice %get3A_4 {offsets = [14], sizes = [1], strides = [1]} : vector<16xf32> to vector<1xf32>
    %squeeze3A_114 = vector.extract %slice3A_113[0] : f32 from vector<1xf32>
    %gt3A_115 = arith.constant 0.000000e+00 : f32
    %gt3A_116 = arith.cmpf ogt, %squeeze3A_114, %gt3A_115 : f32
    %jit3A_117 = arith.constant 16384 : i32
    %jit3A_118 = arith.constant 0 : i32
    %select_n3A_119 = arith.select %gt3A_116, %jit3A_117, %jit3A_118 : i32
    %add3A_120 = arith.addi %add3A_112, %select_n3A_119 : i32
    %slice3A_121 = vector.extract_strided_slice %get3A_4 {offsets = [15], sizes = [1], strides = [1]} : vector<16xf32> to vector<1xf32>
    %squeeze3A_122 = vector.extract %slice3A_121[0] : f32 from vector<1xf32>
    %gt3A_123 = arith.constant 0.000000e+00 : f32
    %gt3A_124 = arith.cmpf ogt, %squeeze3A_122, %gt3A_123 : f32
    %jit3A_125 = arith.constant 32768 : i32
    %jit3A_126 = arith.constant 0 : i32
    %select_n3A_127 = arith.select %gt3A_124, %jit3A_125, %jit3A_126 : i32
    %add3A_128 = arith.addi %add3A_120, %select_n3A_127 : i32
    %dma_start3A = tpu.memref_slice %arg3[%add3A_128, %mul3A_2] : memref<65536x1024xf32, #tpu.memory_space<hbm>> -> memref<1x128xf32, #tpu.memory_space<hbm>>
    %dma_start3A_129 = tpu.memref_squeeze %dma_start3A : memref<1x128xf32, #tpu.memory_space<hbm>> -> memref<128xf32, #tpu.memory_space<hbm>>
    %dma_start3A_130 = tpu.memref_slice %arg3[%add3A_128, %mul3A_2] : memref<65536x1024xf32, #tpu.memory_space<hbm>> -> memref<1x128xf32, #tpu.memory_space<hbm>>
    %dma_start3A_131 = tpu.memref_squeeze %dma_start3A_130 : memref<1x128xf32, #tpu.memory_space<hbm>> -> memref<128xf32, #tpu.memory_space<hbm>>
    tpu.enqueue_dma source(%dma_start3A_131 : memref<128xf32, #tpu.memory_space<hbm>>) target(%arg8 : memref<128xf32, #tpu.memory_space<vmem>>) target_semaphore(%arg10 : memref<!tpu.dma_semaphore, #tpu.memory_space<semaphore_mem>>)
    %jit3A_132 = arith.constant 8 : i32
    %div3A = arith.divsi %add3A_128, %jit3A_132 : i32
    %sign3A = arith.constant 0 : i32
    %sign3A_133 = arith.cmpi sgt, %add3A_128, %sign3A : i32
    %sign3A_134 = arith.extui %sign3A_133 : i1 to i32
    %sign3A_135 = arith.constant 0 : i32
    %sign3A_136 = arith.cmpi slt, %add3A_128, %sign3A_135 : i32
    %sign3A_137 = arith.extui %sign3A_136 : i1 to i32
    %sign3A_138 = arith.subi %sign3A_134, %sign3A_137 : i32
    %sign3A_139 = arith.constant 0 : i32
    %sign3A_140 = arith.cmpi sgt, %jit3A_132, %sign3A_139 : i32
    %sign3A_141 = arith.extui %sign3A_140 : i1 to i32
    %sign3A_142 = arith.constant 0 : i32
    %sign3A_143 = arith.cmpi slt, %jit3A_132, %sign3A_142 : i32
    %sign3A_144 = arith.extui %sign3A_143 : i1 to i32
    %sign3A_145 = arith.subi %sign3A_141, %sign3A_144 : i32
    %ne3A = arith.cmpi ne, %sign3A_138, %sign3A_145 : i32
    %rem3A = arith.remsi %add3A_128, %jit3A_132 : i32
    %ne3A_146 = arith.constant 0 : i32
    %ne3A_147 = arith.cmpi ne, %rem3A, %ne3A_146 : i32
    %and3A = arith.andi %ne3A, %ne3A_147 : i1
    %sub3A = arith.constant 1 : i32
    %sub3A_148 = arith.subi %div3A, %sub3A : i32
    %select_n3A_149 = arith.select %and3A, %sub3A_148, %div3A : i32
    %mul3A_150 = arith.constant 8 : i32
    %mul3A_151 = arith.muli %select_n3A_149, %mul3A_150 : i32
    %min3A = arith.constant 65520 : i32
    %min3A_152 = arith.minsi %mul3A_151, %min3A : i32
    "tpu.region"() ({
      %run_scoped3A = tpu.sem_alloc : memref<!tpu.dma_semaphore, #tpu.memory_space<semaphore_mem>>
      %dma_start3A_567 = tpu.memref_slice %arg4[%min3A_152] : memref<65536xi32, #tpu.memory_space<hbm>> -> memref<16xi32, #tpu.memory_space<hbm>>
      %dma_start3A_568 = tpu.memref_slice %arg4[%min3A_152] : memref<65536xi32, #tpu.memory_space<hbm>> -> memref<16xi32, #tpu.memory_space<hbm>>
      tpu.enqueue_dma source(%dma_start3A_568 : memref<16xi32, #tpu.memory_space<hbm>>) target(%arg7 : memref<16xi32, #tpu.memory_space<vmem>>) target_semaphore(%run_scoped3A : memref<!tpu.dma_semaphore, #tpu.memory_space<semaphore_mem>>)
      %dma_wait3A_569 = tpu.memref_slice %arg4[%min3A_152] : memref<65536xi32, #tpu.memory_space<hbm>> -> memref<16xi32, #tpu.memory_space<hbm>>
      %dma_wait3A_570 = tpu.memref_slice %arg4[%min3A_152] : memref<65536xi32, #tpu.memory_space<hbm>> -> memref<16xi32, #tpu.memory_space<hbm>>
      tpu.wait_dma2 semaphore(%run_scoped3A : memref<!tpu.dma_semaphore, #tpu.memory_space<semaphore_mem>>) src(%dma_wait3A_570 : memref<16xi32, #tpu.memory_space<hbm>>) dst(%arg7 : memref<16xi32, #tpu.memory_space<vmem>>)
      tpu.yield
    }) : () -> ()
    %sub3A_153 = arith.subi %add3A_128, %min3A_152 : i32
    %get3A_154 = arith.constant 0 : index
    %get3A_155 = tpu.vector_load %arg7[%get3A_154] {strides = array<i32>} : memref<16xi32, #tpu.memory_space<vmem>>, vector<16xi32>,
    %get3A_156 = vector.shape_cast %get3A_155 : vector<16xi32> to vector<16xi32>
    %eq3A = arith.constant 0 : i32
    %eq3A_157 = arith.cmpi eq, %sub3A_153, %eq3A : i32
    %slice3A_158 = vector.extract_strided_slice %get3A_156 {offsets = [0], sizes = [1], strides = [1]} : vector<16xi32> to vector<1xi32>
    %squeeze3A_159 = vector.extract %slice3A_158[0] : i32 from vector<1xi32>
    %jit3A_160 = arith.constant 0 : i32
    %select_n3A_161 = arith.select %eq3A_157, %squeeze3A_159, %jit3A_160 : i32
    %add3A_162 = arith.constant 0 : i32
    %add3A_163 = arith.addi %add3A_162, %select_n3A_161 : i32
    %eq3A_164 = arith.constant 1 : i32
    %eq3A_165 = arith.cmpi eq, %sub3A_153, %eq3A_164 : i32
    %slice3A_166 = vector.extract_strided_slice %get3A_156 {offsets = [1], sizes = [1], strides = [1]} : vector<16xi32> to vector<1xi32>
    %squeeze3A_167 = vector.extract %slice3A_166[0] : i32 from vector<1xi32>
    %jit3A_168 = arith.constant 0 : i32
    %select_n3A_169 = arith.select %eq3A_165, %squeeze3A_167, %jit3A_168 : i32
    %add3A_170 = arith.addi %add3A_163, %select_n3A_169 : i32
    %eq3A_171 = arith.constant 2 : i32
    %eq3A_172 = arith.cmpi eq, %sub3A_153, %eq3A_171 : i32
    %slice3A_173 = vector.extract_strided_slice %get3A_156 {offsets = [2], sizes = [1], strides = [1]} : vector<16xi32> to vector<1xi32>
    %squeeze3A_174 = vector.extract %slice3A_173[0] : i32 from vector<1xi32>
    %jit3A_175 = arith.constant 0 : i32
    %select_n3A_176 = arith.select %eq3A_172, %squeeze3A_174, %jit3A_175 : i32
    %add3A_177 = arith.addi %add3A_170, %select_n3A_176 : i32
    %eq3A_178 = arith.constant 3 : i32
    %eq3A_179 = arith.cmpi eq, %sub3A_153, %eq3A_178 : i32
    %slice3A_180 = vector.extract_strided_slice %get3A_156 {offsets = [3], sizes = [1], strides = [1]} : vector<16xi32> to vector<1xi32>
    %squeeze3A_181 = vector.extract %slice3A_180[0] : i32 from vector<1xi32>
    %jit3A_182 = arith.constant 0 : i32
    %select_n3A_183 = arith.select %eq3A_179, %squeeze3A_181, %jit3A_182 : i32
    %add3A_184 = arith.addi %add3A_177, %select_n3A_183 : i32
    %eq3A_185 = arith.constant 4 : i32
    %eq3A_186 = arith.cmpi eq, %sub3A_153, %eq3A_185 : i32
    %slice3A_187 = vector.extract_strided_slice %get3A_156 {offsets = [4], sizes = [1], strides = [1]} : vector<16xi32> to vector<1xi32>
    %squeeze3A_188 = vector.extract %slice3A_187[0] : i32 from vector<1xi32>
    %jit3A_189 = arith.constant 0 : i32
    %select_n3A_190 = arith.select %eq3A_186, %squeeze3A_188, %jit3A_189 : i32
    %add3A_191 = arith.addi %add3A_184, %select_n3A_190 : i32
    %eq3A_192 = arith.constant 5 : i32
    %eq3A_193 = arith.cmpi eq, %sub3A_153, %eq3A_192 : i32
    %slice3A_194 = vector.extract_strided_slice %get3A_156 {offsets = [5], sizes = [1], strides = [1]} : vector<16xi32> to vector<1xi32>
    %squeeze3A_195 = vector.extract %slice3A_194[0] : i32 from vector<1xi32>
    %jit3A_196 = arith.constant 0 : i32
    %select_n3A_197 = arith.select %eq3A_193, %squeeze3A_195, %jit3A_196 : i32
    %add3A_198 = arith.addi %add3A_191, %select_n3A_197 : i32
    %eq3A_199 = arith.constant 6 : i32
    %eq3A_200 = arith.cmpi eq, %sub3A_153, %eq3A_199 : i32
    %slice3A_201 = vector.extract_strided_slice %get3A_156 {offsets = [6], sizes = [1], strides = [1]} : vector<16xi32> to vector<1xi32>
    %squeeze3A_202 = vector.extract %slice3A_201[0] : i32 from vector<1xi32>
    %jit3A_203 = arith.constant 0 : i32
    %select_n3A_204 = arith.select %eq3A_200, %squeeze3A_202, %jit3A_203 : i32
    %add3A_205 = arith.addi %add3A_198, %select_n3A_204 : i32
    %eq3A_206 = arith.constant 7 : i32
    %eq3A_207 = arith.cmpi eq, %sub3A_153, %eq3A_206 : i32
    %slice3A_208 = vector.extract_strided_slice %get3A_156 {offsets = [7], sizes = [1], strides = [1]} : vector<16xi32> to vector<1xi32>
    %squeeze3A_209 = vector.extract %slice3A_208[0] : i32 from vector<1xi32>
    %jit3A_210 = arith.constant 0 : i32
    %select_n3A_211 = arith.select %eq3A_207, %squeeze3A_209, %jit3A_210 : i32
    %add3A_212 = arith.addi %add3A_205, %select_n3A_211 : i32
    %eq3A_213 = arith.constant 8 : i32
    %eq3A_214 = arith.cmpi eq, %sub3A_153, %eq3A_213 : i32
    %slice3A_215 = vector.extract_strided_slice %get3A_156 {offsets = [8], sizes = [1], strides = [1]} : vector<16xi32> to vector<1xi32>
    %squeeze3A_216 = vector.extract %slice3A_215[0] : i32 from vector<1xi32>
    %jit3A_217 = arith.constant 0 : i32
    %select_n3A_218 = arith.select %eq3A_214, %squeeze3A_216, %jit3A_217 : i32
    %add3A_219 = arith.addi %add3A_212, %select_n3A_218 : i32
    %eq3A_220 = arith.constant 9 : i32
    %eq3A_221 = arith.cmpi eq, %sub3A_153, %eq3A_220 : i32
    %slice3A_222 = vector.extract_strided_slice %get3A_156 {offsets = [9], sizes = [1], strides = [1]} : vector<16xi32> to vector<1xi32>
    %squeeze3A_223 = vector.extract %slice3A_222[0] : i32 from vector<1xi32>
    %jit3A_224 = arith.constant 0 : i32
    %select_n3A_225 = arith.select %eq3A_221, %squeeze3A_223, %jit3A_224 : i32
    %add3A_226 = arith.addi %add3A_219, %select_n3A_225 : i32
    %eq3A_227 = arith.constant 10 : i32
    %eq3A_228 = arith.cmpi eq, %sub3A_153, %eq3A_227 : i32
    %slice3A_229 = vector.extract_strided_slice %get3A_156 {offsets = [10], sizes = [1], strides = [1]} : vector<16xi32> to vector<1xi32>
    %squeeze3A_230 = vector.extract %slice3A_229[0] : i32 from vector<1xi32>
    %jit3A_231 = arith.constant 0 : i32
    %select_n3A_232 = arith.select %eq3A_228, %squeeze3A_230, %jit3A_231 : i32
    %add3A_233 = arith.addi %add3A_226, %select_n3A_232 : i32
    %eq3A_234 = arith.constant 11 : i32
    %eq3A_235 = arith.cmpi eq, %sub3A_153, %eq3A_234 : i32
    %slice3A_236 = vector.extract_strided_slice %get3A_156 {offsets = [11], sizes = [1], strides = [1]} : vector<16xi32> to vector<1xi32>
    %squeeze3A_237 = vector.extract %slice3A_236[0] : i32 from vector<1xi32>
    %jit3A_238 = arith.constant 0 : i32
    %select_n3A_239 = arith.select %eq3A_235, %squeeze3A_237, %jit3A_238 : i32
    %add3A_240 = arith.addi %add3A_233, %select_n3A_239 : i32
    %eq3A_241 = arith.constant 12 : i32
    %eq3A_242 = arith.cmpi eq, %sub3A_153, %eq3A_241 : i32
    %slice3A_243 = vector.extract_strided_slice %get3A_156 {offsets = [12], sizes = [1], strides = [1]} : vector<16xi32> to vector<1xi32>
    %squeeze3A_244 = vector.extract %slice3A_243[0] : i32 from vector<1xi32>
    %jit3A_245 = arith.constant 0 : i32
    %select_n3A_246 = arith.select %eq3A_242, %squeeze3A_244, %jit3A_245 : i32
    %add3A_247 = arith.addi %add3A_240, %select_n3A_246 : i32
    %eq3A_248 = arith.constant 13 : i32
    %eq3A_249 = arith.cmpi eq, %sub3A_153, %eq3A_248 : i32
    %slice3A_250 = vector.extract_strided_slice %get3A_156 {offsets = [13], sizes = [1], strides = [1]} : vector<16xi32> to vector<1xi32>
    %squeeze3A_251 = vector.extract %slice3A_250[0] : i32 from vector<1xi32>
    %jit3A_252 = arith.constant 0 : i32
    %select_n3A_253 = arith.select %eq3A_249, %squeeze3A_251, %jit3A_252 : i32
    %add3A_254 = arith.addi %add3A_247, %select_n3A_253 : i32
    %eq3A_255 = arith.constant 14 : i32
    %eq3A_256 = arith.cmpi eq, %sub3A_153, %eq3A_255 : i32
    %slice3A_257 = vector.extract_strided_slice %get3A_156 {offsets = [14], sizes = [1], strides = [1]} : vector<16xi32> to vector<1xi32>
    %squeeze3A_258 = vector.extract %slice3A_257[0] : i32 from vector<1xi32>
    %jit3A_259 = arith.constant 0 : i32
    %select_n3A_260 = arith.select %eq3A_256, %squeeze3A_258, %jit3A_259 : i32
    %add3A_261 = arith.addi %add3A_254, %select_n3A_260 : i32
    %eq3A_262 = arith.constant 15 : i32
    %eq3A_263 = arith.cmpi eq, %sub3A_153, %eq3A_262 : i32
    %slice3A_264 = vector.extract_strided_slice %get3A_156 {offsets = [15], sizes = [1], strides = [1]} : vector<16xi32> to vector<1xi32>
    %squeeze3A_265 = vector.extract %slice3A_264[0] : i32 from vector<1xi32>
    %jit3A_266 = arith.constant 0 : i32
    %select_n3A_267 = arith.select %eq3A_263, %squeeze3A_265, %jit3A_266 : i32
    %add3A_268 = arith.addi %add3A_261, %select_n3A_267 : i32
    %eq3A_269 = arith.constant 0 : i32
    %eq3A_270 = arith.cmpi eq, %add3A_268, %eq3A_269 : i32
    %slice3A_271 = vector.extract_strided_slice %get3A_4 {offsets = [0], sizes = [1], strides = [1]} : vector<16xf32> to vector<1xf32>
    %squeeze3A_272 = vector.extract %slice3A_271[0] : f32 from vector<1xf32>
    %jit3A_273 = arith.constant 0.000000e+00 : f32
    %select_n3A_274 = arith.select %eq3A_270, %squeeze3A_272, %jit3A_273 : f32
    %add3A_275 = arith.constant 0.000000e+00 : f32
    %add3A_276 = arith.addf %add3A_275, %select_n3A_274 : f32
    %eq3A_277 = arith.constant 1 : i32
    %eq3A_278 = arith.cmpi eq, %add3A_268, %eq3A_277 : i32
    %slice3A_279 = vector.extract_strided_slice %get3A_4 {offsets = [1], sizes = [1], strides = [1]} : vector<16xf32> to vector<1xf32>
    %squeeze3A_280 = vector.extract %slice3A_279[0] : f32 from vector<1xf32>
    %jit3A_281 = arith.constant 0.000000e+00 : f32
    %select_n3A_282 = arith.select %eq3A_278, %squeeze3A_280, %jit3A_281 : f32
    %add3A_283 = arith.addf %add3A_276, %select_n3A_282 : f32
    %eq3A_284 = arith.constant 2 : i32
    %eq3A_285 = arith.cmpi eq, %add3A_268, %eq3A_284 : i32
    %slice3A_286 = vector.extract_strided_slice %get3A_4 {offsets = [2], sizes = [1], strides = [1]} : vector<16xf32> to vector<1xf32>
    %squeeze3A_287 = vector.extract %slice3A_286[0] : f32 from vector<1xf32>
    %jit3A_288 = arith.constant 0.000000e+00 : f32
    %select_n3A_289 = arith.select %eq3A_285, %squeeze3A_287, %jit3A_288 : f32
    %add3A_290 = arith.addf %add3A_283, %select_n3A_289 : f32
    %eq3A_291 = arith.constant 3 : i32
    %eq3A_292 = arith.cmpi eq, %add3A_268, %eq3A_291 : i32
    %slice3A_293 = vector.extract_strided_slice %get3A_4 {offsets = [3], sizes = [1], strides = [1]} : vector<16xf32> to vector<1xf32>
    %squeeze3A_294 = vector.extract %slice3A_293[0] : f32 from vector<1xf32>
    %jit3A_295 = arith.constant 0.000000e+00 : f32
    %select_n3A_296 = arith.select %eq3A_292, %squeeze3A_294, %jit3A_295 : f32
    %add3A_297 = arith.addf %add3A_290, %select_n3A_296 : f32
    %eq3A_298 = arith.constant 4 : i32
    %eq3A_299 = arith.cmpi eq, %add3A_268, %eq3A_298 : i32
    %slice3A_300 = vector.extract_strided_slice %get3A_4 {offsets = [4], sizes = [1], strides = [1]} : vector<16xf32> to vector<1xf32>
    %squeeze3A_301 = vector.extract %slice3A_300[0] : f32 from vector<1xf32>
    %jit3A_302 = arith.constant 0.000000e+00 : f32
    %select_n3A_303 = arith.select %eq3A_299, %squeeze3A_301, %jit3A_302 : f32
    %add3A_304 = arith.addf %add3A_297, %select_n3A_303 : f32
    %eq3A_305 = arith.constant 5 : i32
    %eq3A_306 = arith.cmpi eq, %add3A_268, %eq3A_305 : i32
    %slice3A_307 = vector.extract_strided_slice %get3A_4 {offsets = [5], sizes = [1], strides = [1]} : vector<16xf32> to vector<1xf32>
    %squeeze3A_308 = vector.extract %slice3A_307[0] : f32 from vector<1xf32>
    %jit3A_309 = arith.constant 0.000000e+00 : f32
    %select_n3A_310 = arith.select %eq3A_306, %squeeze3A_308, %jit3A_309 : f32
    %add3A_311 = arith.addf %add3A_304, %select_n3A_310 : f32
    %eq3A_312 = arith.constant 6 : i32
    %eq3A_313 = arith.cmpi eq, %add3A_268, %eq3A_312 : i32
    %slice3A_314 = vector.extract_strided_slice %get3A_4 {offsets = [6], sizes = [1], strides = [1]} : vector<16xf32> to vector<1xf32>
    %squeeze3A_315 = vector.extract %slice3A_314[0] : f32 from vector<1xf32>
    %jit3A_316 = arith.constant 0.000000e+00 : f32
    %select_n3A_317 = arith.select %eq3A_313, %squeeze3A_315, %jit3A_316 : f32
    %add3A_318 = arith.addf %add3A_311, %select_n3A_317 : f32
    %eq3A_319 = arith.constant 7 : i32
    %eq3A_320 = arith.cmpi eq, %add3A_268, %eq3A_319 : i32
    %slice3A_321 = vector.extract_strided_slice %get3A_4 {offsets = [7], sizes = [1], strides = [1]} : vector<16xf32> to vector<1xf32>
    %squeeze3A_322 = vector.extract %slice3A_321[0] : f32 from vector<1xf32>
    %jit3A_323 = arith.constant 0.000000e+00 : f32
    %select_n3A_324 = arith.select %eq3A_320, %squeeze3A_322, %jit3A_323 : f32
    %add3A_325 = arith.addf %add3A_318, %select_n3A_324 : f32
    %eq3A_326 = arith.constant 8 : i32
    %eq3A_327 = arith.cmpi eq, %add3A_268, %eq3A_326 : i32
    %slice3A_328 = vector.extract_strided_slice %get3A_4 {offsets = [8], sizes = [1], strides = [1]} : vector<16xf32> to vector<1xf32>
    %squeeze3A_329 = vector.extract %slice3A_328[0] : f32 from vector<1xf32>
    %jit3A_330 = arith.constant 0.000000e+00 : f32
    %select_n3A_331 = arith.select %eq3A_327, %squeeze3A_329, %jit3A_330 : f32
    %add3A_332 = arith.addf %add3A_325, %select_n3A_331 : f32
    %eq3A_333 = arith.constant 9 : i32
    %eq3A_334 = arith.cmpi eq, %add3A_268, %eq3A_333 : i32
    %slice3A_335 = vector.extract_strided_slice %get3A_4 {offsets = [9], sizes = [1], strides = [1]} : vector<16xf32> to vector<1xf32>
    %squeeze3A_336 = vector.extract %slice3A_335[0] : f32 from vector<1xf32>
    %jit3A_337 = arith.constant 0.000000e+00 : f32
    %select_n3A_338 = arith.select %eq3A_334, %squeeze3A_336, %jit3A_337 : f32
    %add3A_339 = arith.addf %add3A_332, %select_n3A_338 : f32
    %eq3A_340 = arith.constant 10 : i32
    %eq3A_341 = arith.cmpi eq, %add3A_268, %eq3A_340 : i32
    %slice3A_342 = vector.extract_strided_slice %get3A_4 {offsets = [10], sizes = [1], strides = [1]} : vector<16xf32> to vector<1xf32>
    %squeeze3A_343 = vector.extract %slice3A_342[0] : f32 from vector<1xf32>
    %jit3A_344 = arith.constant 0.000000e+00 : f32
    %select_n3A_345 = arith.select %eq3A_341, %squeeze3A_343, %jit3A_344 : f32
    %add3A_346 = arith.addf %add3A_339, %select_n3A_345 : f32
    %eq3A_347 = arith.constant 11 : i32
    %eq3A_348 = arith.cmpi eq, %add3A_268, %eq3A_347 : i32
    %slice3A_349 = vector.extract_strided_slice %get3A_4 {offsets = [11], sizes = [1], strides = [1]} : vector<16xf32> to vector<1xf32>
    %squeeze3A_350 = vector.extract %slice3A_349[0] : f32 from vector<1xf32>
    %jit3A_351 = arith.constant 0.000000e+00 : f32
    %select_n3A_352 = arith.select %eq3A_348, %squeeze3A_350, %jit3A_351 : f32
    %add3A_353 = arith.addf %add3A_346, %select_n3A_352 : f32
    %eq3A_354 = arith.constant 12 : i32
    %eq3A_355 = arith.cmpi eq, %add3A_268, %eq3A_354 : i32
    %slice3A_356 = vector.extract_strided_slice %get3A_4 {offsets = [12], sizes = [1], strides = [1]} : vector<16xf32> to vector<1xf32>
    %squeeze3A_357 = vector.extract %slice3A_356[0] : f32 from vector<1xf32>
    %jit3A_358 = arith.constant 0.000000e+00 : f32
    %select_n3A_359 = arith.select %eq3A_355, %squeeze3A_357, %jit3A_358 : f32
    %add3A_360 = arith.addf %add3A_353, %select_n3A_359 : f32
    %eq3A_361 = arith.constant 13 : i32
    %eq3A_362 = arith.cmpi eq, %add3A_268, %eq3A_361 : i32
    %slice3A_363 = vector.extract_strided_slice %get3A_4 {offsets = [13], sizes = [1], strides = [1]} : vector<16xf32> to vector<1xf32>
    %squeeze3A_364 = vector.extract %slice3A_363[0] : f32 from vector<1xf32>
    %jit3A_365 = arith.constant 0.000000e+00 : f32
    %select_n3A_366 = arith.select %eq3A_362, %squeeze3A_364, %jit3A_365 : f32
    %add3A_367 = arith.addf %add3A_360, %select_n3A_366 : f32
    %eq3A_368 = arith.constant 14 : i32
    %eq3A_369 = arith.cmpi eq, %add3A_268, %eq3A_368 : i32
    %slice3A_370 = vector.extract_strided_slice %get3A_4 {offsets = [14], sizes = [1], strides = [1]} : vector<16xf32> to vector<1xf32>
    %squeeze3A_371 = vector.extract %slice3A_370[0] : f32 from vector<1xf32>
    %jit3A_372 = arith.constant 0.000000e+00 : f32
    %select_n3A_373 = arith.select %eq3A_369, %squeeze3A_371, %jit3A_372 : f32
    %add3A_374 = arith.addf %add3A_367, %select_n3A_373 : f32
    %eq3A_375 = arith.constant 15 : i32
    %eq3A_376 = arith.cmpi eq, %add3A_268, %eq3A_375 : i32
    %slice3A_377 = vector.extract_strided_slice %get3A_4 {offsets = [15], sizes = [1], strides = [1]} : vector<16xf32> to vector<1xf32>
    %squeeze3A_378 = vector.extract %slice3A_377[0] : f32 from vector<1xf32>
    %jit3A_379 = arith.constant 0.000000e+00 : f32
    %select_n3A_380 = arith.select %eq3A_376, %squeeze3A_378, %jit3A_379 : f32
    %add3A_381 = arith.addf %add3A_374, %select_n3A_380 : f32
    %dma_wait3A = tpu.memref_slice %arg3[%add3A_128, %mul3A_2] : memref<65536x1024xf32, #tpu.memory_space<hbm>> -> memref<1x128xf32, #tpu.memory_space<hbm>>
    %dma_wait3A_382 = tpu.memref_squeeze %dma_wait3A : memref<1x128xf32, #tpu.memory_space<hbm>> -> memref<128xf32, #tpu.memory_space<hbm>>
    %dma_wait3A_383 = tpu.memref_slice %arg3[%add3A_128, %mul3A_2] : memref<65536x1024xf32, #tpu.memory_space<hbm>> -> memref<1x128xf32, #tpu.memory_space<hbm>>
    %dma_wait3A_384 = tpu.memref_squeeze %dma_wait3A_383 : memref<1x128xf32, #tpu.memory_space<hbm>> -> memref<128xf32, #tpu.memory_space<hbm>>
    tpu.wait_dma2 semaphore(%arg10 : memref<!tpu.dma_semaphore, #tpu.memory_space<semaphore_mem>>) src(%dma_wait3A_384 : memref<128xf32, #tpu.memory_space<hbm>>) dst(%arg8 : memref<128xf32, #tpu.memory_space<vmem>>)
    %get3A_385 = arith.constant 0 : index
    %get3A_386 = tpu.vector_load %arg8[%get3A_385] {strides = array<i32>} : memref<128xf32, #tpu.memory_space<vmem>>, vector<16xf32>,
    %get3A_387 = vector.shape_cast %get3A_386 : vector<16xf32> to vector<16xf32>
    %add3A_388 = vector.broadcast %add3A_381 : f32 to vector<16xf32>
    %add3A_389 = arith.addf %add3A_388, %get3A_387 : vector<16xf32>
    %mul3A_390 = arith.constant 0.707106769 : f32
    %mul3A_391 = vector.broadcast %mul3A_390 : f32 to vector<16xf32>
    %mul3A_392 = arith.mulf %add3A_389, %mul3A_391 : vector<16xf32>
    %swap3A = arith.constant 0 : i32
    %swap3A_393 = arith.index_cast %swap3A : i32 to index
    %swap3A_394 = arith.constant 0 : index
    %swap3A_395 = tpu.vector_load %arg9[%swap3A_393, %swap3A_394] {strides = array<i32>} : memref<2x128xf32, #tpu.memory_space<vmem>>, vector<1x16xf32>,
    %swap3A_396 = vector.shape_cast %swap3A_395 : vector<1x16xf32> to vector<16xf32>
    %swap3A_397 = vector.shape_cast %mul3A_392 : vector<16xf32> to vector<1x16xf32>
    tpu.vector_store %arg9[%swap3A_393, %swap3A_394], %swap3A_397 {strides = array<i32>} : memref<2x128xf32, #tpu.memory_space<vmem>>, vector<1x16xf32>,
    %neg3A = arith.constant 0.000000e+00 : f32
    %neg3A_398 = vector.broadcast %neg3A : f32 to vector<16xf32>
    %neg3A_399 = arith.subf %neg3A_398, %mul3A_392 : vector<16xf32>
    %swap3A_400 = arith.constant 1 : i32
    %swap3A_401 = arith.index_cast %swap3A_400 : i32 to index
    %swap3A_402 = arith.constant 0 : index
    %swap3A_403 = tpu.vector_load %arg9[%swap3A_401, %swap3A_402] {strides = array<i32>} : memref<2x128xf32, #tpu.memory_space<vmem>>, vector<1x16xf32>,
    %swap3A_404 = vector.shape_cast %swap3A_403 : vector<1x16xf32> to vector<16xf32>
    %swap3A_405 = vector.shape_cast %neg3A_399 : vector<16xf32> to vector<1x16xf32>
    tpu.vector_store %arg9[%swap3A_401, %swap3A_402], %swap3A_405 {strides = array<i32>} : memref<2x128xf32, #tpu.memory_space<vmem>>, vector<1x16xf32>,
    %get3A_406 = arith.constant 16 : index
    %get3A_407 = tpu.vector_load %arg8[%get3A_406] {strides = array<i32>} : memref<128xf32, #tpu.memory_space<vmem>>, vector<16xf32>,
    %get3A_408 = vector.shape_cast %get3A_407 : vector<16xf32> to vector<16xf32>
    %add3A_409 = vector.broadcast %add3A_381 : f32 to vector<16xf32>
    %add3A_410 = arith.addf %add3A_409, %get3A_408 : vector<16xf32>
    %mul3A_411 = arith.constant 0.707106769 : f32
    %mul3A_412 = vector.broadcast %mul3A_411 : f32 to vector<16xf32>
    %mul3A_413 = arith.mulf %add3A_410, %mul3A_412 : vector<16xf32>
    %swap3A_414 = arith.constant 0 : i32
    %swap3A_415 = arith.index_cast %swap3A_414 : i32 to index
    %swap3A_416 = arith.constant 16 : index
    %swap3A_417 = tpu.vector_load %arg9[%swap3A_415, %swap3A_416] {strides = array<i32>} : memref<2x128xf32, #tpu.memory_space<vmem>>, vector<1x16xf32>,
    %swap3A_418 = vector.shape_cast %swap3A_417 : vector<1x16xf32> to vector<16xf32>
    %swap3A_419 = vector.shape_cast %mul3A_413 : vector<16xf32> to vector<1x16xf32>
    tpu.vector_store %arg9[%swap3A_415, %swap3A_416], %swap3A_419 {strides = array<i32>} : memref<2x128xf32, #tpu.memory_space<vmem>>, vector<1x16xf32>,
    %neg3A_420 = arith.constant 0.000000e+00 : f32
    %neg3A_421 = vector.broadcast %neg3A_420 : f32 to vector<16xf32>
    %neg3A_422 = arith.subf %neg3A_421, %mul3A_413 : vector<16xf32>
    %swap3A_423 = arith.constant 1 : i32
    %swap3A_424 = arith.index_cast %swap3A_423 : i32 to index
    %swap3A_425 = arith.constant 16 : index
    %swap3A_426 = tpu.vector_load %arg9[%swap3A_424, %swap3A_425] {strides = array<i32>} : memref<2x128xf32, #tpu.memory_space<vmem>>, vector<1x16xf32>,
    %swap3A_427 = vector.shape_cast %swap3A_426 : vector<1x16xf32> to vector<16xf32>
    %swap3A_428 = vector.shape_cast %neg3A_422 : vector<16xf32> to vector<1x16xf32>
    tpu.vector_store %arg9[%swap3A_424, %swap3A_425], %swap3A_428 {strides = array<i32>} : memref<2x128xf32, #tpu.memory_space<vmem>>, vector<1x16xf32>,
    %get3A_429 = arith.constant 32 : index
    %get3A_430 = tpu.vector_load %arg8[%get3A_429] {strides = array<i32>} : memref<128xf32, #tpu.memory_space<vmem>>, vector<16xf32>,
    %get3A_431 = vector.shape_cast %get3A_430 : vector<16xf32> to vector<16xf32>
    %add3A_432 = vector.broadcast %add3A_381 : f32 to vector<16xf32>
    %add3A_433 = arith.addf %add3A_432, %get3A_431 : vector<16xf32>
    %mul3A_434 = arith.constant 0.707106769 : f32
    %mul3A_435 = vector.broadcast %mul3A_434 : f32 to vector<16xf32>
    %mul3A_436 = arith.mulf %add3A_433, %mul3A_435 : vector<16xf32>
    %swap3A_437 = arith.constant 0 : i32
    %swap3A_438 = arith.index_cast %swap3A_437 : i32 to index
    %swap3A_439 = arith.constant 32 : index
    %swap3A_440 = tpu.vector_load %arg9[%swap3A_438, %swap3A_439] {strides = array<i32>} : memref<2x128xf32, #tpu.memory_space<vmem>>, vector<1x16xf32>,
    %swap3A_441 = vector.shape_cast %swap3A_440 : vector<1x16xf32> to vector<16xf32>
    %swap3A_442 = vector.shape_cast %mul3A_436 : vector<16xf32> to vector<1x16xf32>
    tpu.vector_store %arg9[%swap3A_438, %swap3A_439], %swap3A_442 {strides = array<i32>} : memref<2x128xf32, #tpu.memory_space<vmem>>, vector<1x16xf32>,
    %neg3A_443 = arith.constant 0.000000e+00 : f32
    %neg3A_444 = vector.broadcast %neg3A_443 : f32 to vector<16xf32>
    %neg3A_445 = arith.subf %neg3A_444, %mul3A_436 : vector<16xf32>
    %swap3A_446 = arith.constant 1 : i32
    %swap3A_447 = arith.index_cast %swap3A_446 : i32 to index
    %swap3A_448 = arith.constant 32 : index
    %swap3A_449 = tpu.vector_load %arg9[%swap3A_447, %swap3A_448] {strides = array<i32>} : memref<2x128xf32, #tpu.memory_space<vmem>>, vector<1x16xf32>,
    %swap3A_450 = vector.shape_cast %swap3A_449 : vector<1x16xf32> to vector<16xf32>
    %swap3A_451 = vector.shape_cast %neg3A_445 : vector<16xf32> to vector<1x16xf32>
    tpu.vector_store %arg9[%swap3A_447, %swap3A_448], %swap3A_451 {strides = array<i32>} : memref<2x128xf32, #tpu.memory_space<vmem>>, vector<1x16xf32>,
    %get3A_452 = arith.constant 48 : index
    %get3A_453 = tpu.vector_load %arg8[%get3A_452] {strides = array<i32>} : memref<128xf32, #tpu.memory_space<vmem>>, vector<16xf32>,
    %get3A_454 = vector.shape_cast %get3A_453 : vector<16xf32> to vector<16xf32>
    %add3A_455 = vector.broadcast %add3A_381 : f32 to vector<16xf32>
    %add3A_456 = arith.addf %add3A_455, %get3A_454 : vector<16xf32>
    %mul3A_457 = arith.constant 0.707106769 : f32
    %mul3A_458 = vector.broadcast %mul3A_457 : f32 to vector<16xf32>
    %mul3A_459 = arith.mulf %add3A_456, %mul3A_458 : vector<16xf32>
    %swap3A_460 = arith.constant 0 : i32
    %swap3A_461 = arith.index_cast %swap3A_460 : i32 to index
    %swap3A_462 = arith.constant 48 : index
    %swap3A_463 = tpu.vector_load %arg9[%swap3A_461, %swap3A_462] {strides = array<i32>} : memref<2x128xf32, #tpu.memory_space<vmem>>, vector<1x16xf32>,
    %swap3A_464 = vector.shape_cast %swap3A_463 : vector<1x16xf32> to vector<16xf32>
    %swap3A_465 = vector.shape_cast %mul3A_459 : vector<16xf32> to vector<1x16xf32>
    tpu.vector_store %arg9[%swap3A_461, %swap3A_462], %swap3A_465 {strides = array<i32>} : memref<2x128xf32, #tpu.memory_space<vmem>>, vector<1x16xf32>,
    %neg3A_466 = arith.constant 0.000000e+00 : f32
    %neg3A_467 = vector.broadcast %neg3A_466 : f32 to vector<16xf32>
    %neg3A_468 = arith.subf %neg3A_467, %mul3A_459 : vector<16xf32>
    %swap3A_469 = arith.constant 1 : i32
    %swap3A_470 = arith.index_cast %swap3A_469 : i32 to index
    %swap3A_471 = arith.constant 48 : index
    %swap3A_472 = tpu.vector_load %arg9[%swap3A_470, %swap3A_471] {strides = array<i32>} : memref<2x128xf32, #tpu.memory_space<vmem>>, vector<1x16xf32>,
    %swap3A_473 = vector.shape_cast %swap3A_472 : vector<1x16xf32> to vector<16xf32>
    %swap3A_474 = vector.shape_cast %neg3A_468 : vector<16xf32> to vector<1x16xf32>
    tpu.vector_store %arg9[%swap3A_470, %swap3A_471], %swap3A_474 {strides = array<i32>} : memref<2x128xf32, #tpu.memory_space<vmem>>, vector<1x16xf32>,
    %get3A_475 = arith.constant 64 : index
    %get3A_476 = tpu.vector_load %arg8[%get3A_475] {strides = array<i32>} : memref<128xf32, #tpu.memory_space<vmem>>, vector<16xf32>,
    %get3A_477 = vector.shape_cast %get3A_476 : vector<16xf32> to vector<16xf32>
    %add3A_478 = vector.broadcast %add3A_381 : f32 to vector<16xf32>
    %add3A_479 = arith.addf %add3A_478, %get3A_477 : vector<16xf32>
    %mul3A_480 = arith.constant 0.707106769 : f32
    %mul3A_481 = vector.broadcast %mul3A_480 : f32 to vector<16xf32>
    %mul3A_482 = arith.mulf %add3A_479, %mul3A_481 : vector<16xf32>
    %swap3A_483 = arith.constant 0 : i32
    %swap3A_484 = arith.index_cast %swap3A_483 : i32 to index
    %swap3A_485 = arith.constant 64 : index
    %swap3A_486 = tpu.vector_load %arg9[%swap3A_484, %swap3A_485] {strides = array<i32>} : memref<2x128xf32, #tpu.memory_space<vmem>>, vector<1x16xf32>,
    %swap3A_487 = vector.shape_cast %swap3A_486 : vector<1x16xf32> to vector<16xf32>
    %swap3A_488 = vector.shape_cast %mul3A_482 : vector<16xf32> to vector<1x16xf32>
    tpu.vector_store %arg9[%swap3A_484, %swap3A_485], %swap3A_488 {strides = array<i32>} : memref<2x128xf32, #tpu.memory_space<vmem>>, vector<1x16xf32>,
    %neg3A_489 = arith.constant 0.000000e+00 : f32
    %neg3A_490 = vector.broadcast %neg3A_489 : f32 to vector<16xf32>
    %neg3A_491 = arith.subf %neg3A_490, %mul3A_482 : vector<16xf32>
    %swap3A_492 = arith.constant 1 : i32
    %swap3A_493 = arith.index_cast %swap3A_492 : i32 to index
    %swap3A_494 = arith.constant 64 : index
    %swap3A_495 = tpu.vector_load %arg9[%swap3A_493, %swap3A_494] {strides = array<i32>} : memref<2x128xf32, #tpu.memory_space<vmem>>, vector<1x16xf32>,
    %swap3A_496 = vector.shape_cast %swap3A_495 : vector<1x16xf32> to vector<16xf32>
    %swap3A_497 = vector.shape_cast %neg3A_491 : vector<16xf32> to vector<1x16xf32>
    tpu.vector_store %arg9[%swap3A_493, %swap3A_494], %swap3A_497 {strides = array<i32>} : memref<2x128xf32, #tpu.memory_space<vmem>>, vector<1x16xf32>,
    %get3A_498 = arith.constant 80 : index
    %get3A_499 = tpu.vector_load %arg8[%get3A_498] {strides = array<i32>} : memref<128xf32, #tpu.memory_space<vmem>>, vector<16xf32>,
    %get3A_500 = vector.shape_cast %get3A_499 : vector<16xf32> to vector<16xf32>
    %add3A_501 = vector.broadcast %add3A_381 : f32 to vector<16xf32>
    %add3A_502 = arith.addf %add3A_501, %get3A_500 : vector<16xf32>
    %mul3A_503 = arith.constant 0.707106769 : f32
    %mul3A_504 = vector.broadcast %mul3A_503 : f32 to vector<16xf32>
    %mul3A_505 = arith.mulf %add3A_502, %mul3A_504 : vector<16xf32>
    %swap3A_506 = arith.constant 0 : i32
    %swap3A_507 = arith.index_cast %swap3A_506 : i32 to index
    %swap3A_508 = arith.constant 80 : index
    %swap3A_509 = tpu.vector_load %arg9[%swap3A_507, %swap3A_508] {strides = array<i32>} : memref<2x128xf32, #tpu.memory_space<vmem>>, vector<1x16xf32>,
    %swap3A_510 = vector.shape_cast %swap3A_509 : vector<1x16xf32> to vector<16xf32>
    %swap3A_511 = vector.shape_cast %mul3A_505 : vector<16xf32> to vector<1x16xf32>
    tpu.vector_store %arg9[%swap3A_507, %swap3A_508], %swap3A_511 {strides = array<i32>} : memref<2x128xf32, #tpu.memory_space<vmem>>, vector<1x16xf32>,
    %neg3A_512 = arith.constant 0.000000e+00 : f32
    %neg3A_513 = vector.broadcast %neg3A_512 : f32 to vector<16xf32>
    %neg3A_514 = arith.subf %neg3A_513, %mul3A_505 : vector<16xf32>
    %swap3A_515 = arith.constant 1 : i32
    %swap3A_516 = arith.index_cast %swap3A_515 : i32 to index
    %swap3A_517 = arith.constant 80 : index
    %swap3A_518 = tpu.vector_load %arg9[%swap3A_516, %swap3A_517] {strides = array<i32>} : memref<2x128xf32, #tpu.memory_space<vmem>>, vector<1x16xf32>,
    %swap3A_519 = vector.shape_cast %swap3A_518 : vector<1x16xf32> to vector<16xf32>
    %swap3A_520 = vector.shape_cast %neg3A_514 : vector<16xf32> to vector<1x16xf32>
    tpu.vector_store %arg9[%swap3A_516, %swap3A_517], %swap3A_520 {strides = array<i32>} : memref<2x128xf32, #tpu.memory_space<vmem>>, vector<1x16xf32>,
    %get3A_521 = arith.constant 96 : index
    %get3A_522 = tpu.vector_load %arg8[%get3A_521] {strides = array<i32>} : memref<128xf32, #tpu.memory_space<vmem>>, vector<16xf32>,
    %get3A_523 = vector.shape_cast %get3A_522 : vector<16xf32> to vector<16xf32>
    %add3A_524 = vector.broadcast %add3A_381 : f32 to vector<16xf32>
    %add3A_525 = arith.addf %add3A_524, %get3A_523 : vector<16xf32>
    %mul3A_526 = arith.constant 0.707106769 : f32
    %mul3A_527 = vector.broadcast %mul3A_526 : f32 to vector<16xf32>
    %mul3A_528 = arith.mulf %add3A_525, %mul3A_527 : vector<16xf32>
    %swap3A_529 = arith.constant 0 : i32
    %swap3A_530 = arith.index_cast %swap3A_529 : i32 to index
    %swap3A_531 = arith.constant 96 : index
    %swap3A_532 = tpu.vector_load %arg9[%swap3A_530, %swap3A_531] {strides = array<i32>} : memref<2x128xf32, #tpu.memory_space<vmem>>, vector<1x16xf32>,
    %swap3A_533 = vector.shape_cast %swap3A_532 : vector<1x16xf32> to vector<16xf32>
    %swap3A_534 = vector.shape_cast %mul3A_528 : vector<16xf32> to vector<1x16xf32>
    tpu.vector_store %arg9[%swap3A_530, %swap3A_531], %swap3A_534 {strides = array<i32>} : memref<2x128xf32, #tpu.memory_space<vmem>>, vector<1x16xf32>,
    %neg3A_535 = arith.constant 0.000000e+00 : f32
    %neg3A_536 = vector.broadcast %neg3A_535 : f32 to vector<16xf32>
    %neg3A_537 = arith.subf %neg3A_536, %mul3A_528 : vector<16xf32>
    %swap3A_538 = arith.constant 1 : i32
    %swap3A_539 = arith.index_cast %swap3A_538 : i32 to index
    %swap3A_540 = arith.constant 96 : index
    %swap3A_541 = tpu.vector_load %arg9[%swap3A_539, %swap3A_540] {strides = array<i32>} : memref<2x128xf32, #tpu.memory_space<vmem>>, vector<1x16xf32>,
    %swap3A_542 = vector.shape_cast %swap3A_541 : vector<1x16xf32> to vector<16xf32>
    %swap3A_543 = vector.shape_cast %neg3A_537 : vector<16xf32> to vector<1x16xf32>
    tpu.vector_store %arg9[%swap3A_539, %swap3A_540], %swap3A_543 {strides = array<i32>} : memref<2x128xf32, #tpu.memory_space<vmem>>, vector<1x16xf32>,
    %get3A_544 = arith.constant 112 : index
    %get3A_545 = tpu.vector_load %arg8[%get3A_544] {strides = array<i32>} : memref<128xf32, #tpu.memory_space<vmem>>, vector<16xf32>,
    %get3A_546 = vector.shape_cast %get3A_545 : vector<16xf32> to vector<16xf32>
    %add3A_547 = vector.broadcast %add3A_381 : f32 to vector<16xf32>
    %add3A_548 = arith.addf %add3A_547, %get3A_546 : vector<16xf32>
    %mul3A_549 = arith.constant 0.707106769 : f32
    %mul3A_550 = vector.broadcast %mul3A_549 : f32 to vector<16xf32>
    %mul3A_551 = arith.mulf %add3A_548, %mul3A_550 : vector<16xf32>
    %swap3A_552 = arith.constant 0 : i32
    %swap3A_553 = arith.index_cast %swap3A_552 : i32 to index
    %swap3A_554 = arith.constant 112 : index
    %swap3A_555 = tpu.vector_load %arg9[%swap3A_553, %swap3A_554] {strides = array<i32>} : memref<2x128xf32, #tpu.memory_space<vmem>>, vector<1x16xf32>,
    %swap3A_556 = vector.shape_cast %swap3A_555 : vector<1x16xf32> to vector<16xf32>
    %swap3A_557 = vector.shape_cast %mul3A_551 : vector<16xf32> to vector<1x16xf32>
    tpu.vector_store %arg9[%swap3A_553, %swap3A_554], %swap3A_557 {strides = array<i32>} : memref<2x128xf32, #tpu.memory_space<vmem>>, vector<1x16xf32>,
    %neg3A_558 = arith.constant 0.000000e+00 : f32
    %neg3A_559 = vector.broadcast %neg3A_558 : f32 to vector<16xf32>
    %neg3A_560 = arith.subf %neg3A_559, %mul3A_551 : vector<16xf32>
    %swap3A_561 = arith.constant 1 : i32
    %swap3A_562 = arith.index_cast %swap3A_561 : i32 to index
    %swap3A_563 = arith.constant 112 : index
    %swap3A_564 = tpu.vector_load %arg9[%swap3A_562, %swap3A_563] {strides = array<i32>} : memref<2x128xf32, #tpu.memory_space<vmem>>, vector<1x16xf32>,
    %swap3A_565 = vector.shape_cast %swap3A_564 : vector<1x16xf32> to vector<16xf32>
    %swap3A_566 = vector.shape_cast %neg3A_560 : vector<16xf32> to vector<1x16xf32>
    tpu.vector_store %arg9[%swap3A_562, %swap3A_563], %swap3A_566 {strides = array<i32>} : memref<2x128xf32, #tpu.memory_space<vmem>>, vector<1x16xf32>,
    "tpu.region"() ({
      %run_scoped3A = tpu.sem_alloc : memref<!tpu.dma_semaphore, #tpu.memory_space<semaphore_mem>>
      %dma_start3A_567 = arith.constant 0 : i32
      %dma_start3A_568 = tpu.memref_slice %arg5[%dma_start3A_567, %mul3A_2] : memref<2x1024xf32, #tpu.memory_space<hbm>> -> memref<2x128xf32, #tpu.memory_space<hbm>>
      %dma_start3A_569 = arith.constant 0 : i32
      %dma_start3A_570 = tpu.memref_slice %arg5[%dma_start3A_569, %mul3A_2] : memref<2x1024xf32, #tpu.memory_space<hbm>> -> memref<2x128xf32, #tpu.memory_space<hbm>>
      tpu.enqueue_dma source(%arg9 : memref<2x128xf32, #tpu.memory_space<vmem>>) target(%dma_start3A_570 : memref<2x128xf32, #tpu.memory_space<hbm>>) target_semaphore(%run_scoped3A : memref<!tpu.dma_semaphore, #tpu.memory_space<semaphore_mem>>)
      %dma_wait3A_571 = arith.constant 0 : i32
      %dma_wait3A_572 = tpu.memref_slice %arg5[%dma_wait3A_571, %mul3A_2] : memref<2x1024xf32, #tpu.memory_space<hbm>> -> memref<2x128xf32, #tpu.memory_space<hbm>>
      %dma_wait3A_573 = arith.constant 0 : i32
      %dma_wait3A_574 = tpu.memref_slice %arg5[%dma_wait3A_573, %mul3A_2] : memref<2x1024xf32, #tpu.memory_space<hbm>> -> memref<2x128xf32, #tpu.memory_space<hbm>>
      tpu.wait_dma2 semaphore(%run_scoped3A : memref<!tpu.dma_semaphore, #tpu.memory_space<semaphore_mem>>) src(%arg9 : memref<2x128xf32, #tpu.memory_space<vmem>>) dst(%dma_wait3A_574 : memref<2x128xf32, #tpu.memory_space<hbm>>)
      tpu.yield
    }) : () -> ()
    return
  }
}

</mosaic_0001>

<sc_bundles>
// kernel: kernel.3.cloned.1.call-start
scs
__scs_entry_jumppad:
0x0: {  	(pc) =	sbr.rel $0x88, $3  }
0x1: {  	(tag) =	ssettag $0x0;
	lr =	simm.s32 $0x1  }
0x2: {  	[smem:$0x3F9E] =	sst lr;
	_ =	strace $0xD0000000  }
0x3: {  	_ = 	snop  }
0x4: {  	_ = 	snop  }
0x5: {  	_ = 	snop  }
0x6: {  	_ = 	snop  }
0x7: {  	_ = 	snop  }
__scs_overlays_trampoline_lowered:
0x8: {  	[smem:$0x3FAD] =	sst s0  }
0x9: {  	[smem:$0x3FAE] =	sst s1  }
0xa: {  	[smem:$0x3FAF] =	sst s2  }
0xb: {  	[smem:$0x3FB0] =	sst s3  }
0xc: {  	[smem:$0x3FB1] =	sst s4  }
0xd: {  	[smem:$0x3FB2] =	sst s5  }
0xe: {  	[smem:$0x3FB3] =	sst s6  }
0xf: {  	[smem:$0x3FB4] =	sst s7  }
0x10: {  	[smem:$0x3FB5] =	sst s8  }
0x11: {  	[smem:$0x3FB6] =	sst s9;
	s0 =	simm.s32 @!p0 $0x0  }
0x12: {  	s1 =	sld [smem:$0x3F9C];
	s0 =	simm.s32 @p0 $0x1  }
0x13: {  	[smem:$0x3FB7] =	sst s0;
	s0 =	simm.s32 @!p1 $0x0  }
0x14: {  	s2 =	sld [smem:$0x3F9B];
	s0 =	simm.s32 @p1 $0x1  }
0x15: {  	[smem:$0x3FB8] =	sst s0;
	s0 =	simm.s32 @!p2 $0x0  }
0x16: {  	s3 =	sld [smem:$0x3FDB];
	s0 =	simm.s32 @p2 $0x1  }
0x17: {  	s4 =	simm.s32 $0x1BF5;
	[smem:$0x3FBA] =	sst s0  }
0x18: {  	s0 =	sld [smem:$0x3F9D];
	_ =	swait.ge [sflag:s4], $0x0  }
0x19: {  	s7 =	sld [smem:$0x3F9E]  }
0x1a: {  	s8 =	sadd.s32 $0xFFFFE003, lr  }
0x1b: {  	s9 =	sadd.s32 $0xFFFFFEF7, lr;
	s5 =	simm.s32 $0xFFFFFFFF;
	p2 =	slt.u32 s8, $0xFFFFF086  }
0x1c: {  	p1 =	slt.u32 s9, $0xF7A;
	s5 =	simm.s32 @!p2 $0x0  }
0x1d: {  	s5 =	simm.s32 @p1 $0x1;
	p0 =	seq.s32 s7, s2  }
0x1e: {  	s7 =	smul.u32 @!p0 $0xF7A, s2;
	p2 =	seq.s32 @!p0 s5, $0x0  }
0x1f: {  	s9 =	smul.u32 $0xF7A, s1;
	s8 =	simm.s32 @!p0 $0x1BF5;
	p2 =	por !p2, p0  }
0x20: {  	[sflag:s8] =	ssyncset.s32 @!p0 $0xFFFFF086;
	s6 =	sadd.s32 @!p0 s3, s7;
	s7 =	simm.s32 @!p0 $0x108  }
0x21: {  	s3 =	sadd.s32 s3, s9;
	s6 =	sadd.s32 @!p0 $0x88, s6;
	s7 =	simm.s32 @p2 $0x1082  }
0x22: {  	[simem:s7], [sflag:s8] =	dma.local @!p0 [hbm:s6], $0xF7A  }
0x23: {  	s9 =	sor.u32 $0xD0000000, s2;
	s6 =	simm.s32 $0x108;
	_ =	swait.ge @!p0 [sflag:s8], $0x0  }
0x24: {  	s3 =	sadd.s32 $0x88, s3;
	s6 =	simm.s32 @!p1 $0x1082;
	[sflag:s4] =	ssyncset.s32 $0xFFFFF086  }
0x25: {  	[simem:s6], [sflag:s4] =	dma.local [hbm:s3], $0xF7A  }
0x26: {  	[smem:$0x3F9E] =	sst s1;
	(tag) =	ssettag s2;
	_ =	strace s9  }
0x27: {  	s1 =	sld [smem:$0x3FAE]  }
0x28: {  	s2 =	sld [smem:$0x3FAF]  }
0x29: {  	s4 =	sld [smem:$0x3FB1]  }
0x2a: {  	p0 =	seq.s32 s5, $0x0;
	s5 =	sld [smem:$0x3FB2]  }
0x2b: {  	s6 =	sld [smem:$0x3FB3]  }
0x2c: {  	s7 =	sld [smem:$0x3FB4]  }
0x2d: {  	s3 =	simm.s32 $0x108;
	s8 =	sld [smem:$0x3FB5]  }
0x2e: {  	s3 =	simm.s32 @!p0 $0x1082;
	s9 =	sld [smem:$0x3FB6]  }
0x2f: {  	lr =	sadd.s32 s0, s3;
	s0 =	sld [smem:$0x3FAD]  }
0x30: {  	s3 =	sld [smem:$0x3FB0]  }
0x31: {  	[smem:$0x3FB9] =	sst s10  }
0x32: {  	s10 =	sld [smem:$0x3FB7];
	_ =	sdelay $0x3  }
0x33: {  	p0 =	seq.s32 s10, $0x1;
	s10 =	sld [smem:$0x3FB9];
	_ =	sdelay $0x3  }
0x34: {  	[smem:$0x3FB9] =	sst s10  }
0x35: {  	s10 =	sld [smem:$0x3FB8];
	_ =	sdelay $0x3  }
0x36: {  	p1 =	seq.s32 s10, $0x1;
	s10 =	sld [smem:$0x3FB9];
	_ =	sdelay $0x3  }
0x37: {  	[smem:$0x3FB9] =	sst s10  }
0x38: {  	s10 =	sld [smem:$0x3FBA]  }
0x39: {  	_ = 	snop;
	(pc) =	sbr.ind lr, $3  }
0x3a: {  	_ = 	snop  }
0x3b: {  	_ = 	snop  }
0x3c: {  	p2 =	seq.s32 s10, $0x1;
	s10 =	sld [smem:$0x3FB9]  }
0x3d: {  	_ =	shalt  }
0x3e: {  	_ =	shalt  }
0x3f: {  	_ =	shalt  }
0x40: {  	_ =	shalt  }
0x41: {  	_ =	shalt  }
0x42: {  	_ =	shalt  }
0x43: {  	_ =	shalt  }
0x44: {  	_ =	shalt  }
0x45: {  	_ =	shalt  }
0x46: {  	_ =	shalt  }
0x47: {  	_ =	shalt  }
0x48: {  	_ =	shalt  }
0x49: {  	_ =	shalt  }
0x4a: {  	_ =	shalt  }
0x4b: {  	_ =	shalt  }
0x4c: {  	_ =	shalt  }
0x4d: {  	_ =	shalt  }
0x4e: {  	_ =	shalt  }
0x4f: {  	_ =	shalt  }
0x50: {  	_ =	shalt  }
0x51: {  	_ =	shalt  }
0x52: {  	_ =	shalt  }
0x53: {  	_ =	shalt  }
0x54: {  	_ =	shalt  }
0x55: {  	_ =	shalt  }
0x56: {  	_ =	shalt  }
0x57: {  	_ =	shalt  }
0x58: {  	_ =	shalt  }
0x59: {  	_ =	shalt  }
0x5a: {  	_ =	shalt  }
0x5b: {  	_ =	shalt  }
0x5c: {  	_ =	shalt  }
0x5d: {  	_ =	shalt  }
0x5e: {  	_ =	shalt  }
0x5f: {  	_ =	shalt  }
0x60: {  	_ =	shalt  }
0x61: {  	_ =	shalt  }
0x62: {  	_ =	shalt  }
0x63: {  	_ =	shalt  }
0x64: {  	_ =	shalt  }
0x65: {  	_ =	shalt  }
0x66: {  	_ =	shalt  }
0x67: {  	_ =	shalt  }
0x68: {  	_ =	shalt  }
0x69: {  	_ =	shalt  }
0x6a: {  	_ =	shalt  }
0x6b: {  	_ =	shalt  }
0x6c: {  	_ =	shalt  }
0x6d: {  	_ =	shalt  }
0x6e: {  	_ =	shalt  }
0x6f: {  	_ =	shalt  }
0x70: {  	_ =	shalt  }
0x71: {  	_ =	shalt  }
0x72: {  	_ =	shalt  }
0x73: {  	_ =	shalt  }
0x74: {  	_ =	shalt  }
0x75: {  	_ =	shalt  }
0x76: {  	_ =	shalt  }
0x77: {  	_ =	shalt  }
0x78: {  	_ =	shalt  }
0x79: {  	_ =	shalt  }
0x7a: {  	_ =	shalt  }
0x7b: {  	_ =	shalt  }
0x7c: {  	_ =	shalt  }
0x7d: {  	_ =	shalt  }
0x7e: {  	_ =	shalt  }
0x7f: {  	_ =	shalt  }
0x80: {  	_ =	shalt  }
0x81: {  	_ =	shalt  }
0x82: {  	_ =	shalt  }
0x83: {  	_ =	shalt  }
0x84: {  	_ =	shalt  }
0x85: {  	_ =	shalt  }
0x86: {  	_ =	shalt  }
0x87: {  	_ =	shalt  }
.Lfunc_end0:
.L_simem_size_0:
called_computation_lowered:
.L_overlay_start_0:
0x88: {  	s0 =	sld [smem:$0x3FD9]  }
0x89: {  	s1 =	sld [smem:$0x3FFE];
	_ =	sdelay $0x3  }
0x8a: {  	s0 =	sadd.s32 s1, s0  }
0x8b: {  	[smem:$0x3FC5] =	sst s0  }
0x8c: {  	_ = 	snop  }
0x8d: {  	s0 =	sld [smem:$0x3FC9]  }
0x8e: {  	s17 =	sld [smem:$0x3FC8]  }
0x8f: {  	s2 =	sld [smem:$0x3FC7]  }
0x90: {  	s3 =	sld [smem:$0x3FD0];
	(tm) =	ssettm $0x1  }
0x91: {  	s4 =	sld [smem:$0x3FFB];
	_ =	sdelay $0x3  }
0x92: {  	_ =	strace s4  }
0x93: {  	s4 =	sld [smem:$0x3FFC];
	_ =	sdelay $0x3  }
0x94: {  	_ =	strace s4  }
0x95: {  	s4 =	sld [smem:$0x3FFD];
	_ =	sdelay $0x3  }
0x96: {  	_ =	strace s4  }
0x97: {  	_ =	strace $0x8FFFFFFF  }
0x98: {  	s18 =	sld [smem:$0x3FDB];
	_ =	sdelay $0x1  }
0x99: {  	s5 =	simm.s32 $_scs_section_size  }
0x9a: {  	s6 =	simm.s32 $_size__tile_overlayer_lowered;
	s7 =	simm.s32 $_tile_overlayer_lowered  }
0x9b: {  	s21 =	simm.s32 $0x1BFF;
	s20 =	sshll.u32 s7, $0x1;
	s4 =	sadd.s32 s5, s18  }
0x9c: {  	s8 =	simm.s32 $0x0;
	s19 =	sshll.u32 s6, $0x1;
	s6 =	sadd.s32 s20, s4  }
0x9d: {  	[timem:s8], [sflag:s21] =	dma.local [hbm:s6], s19  }
0x9e: {  	_ =	swait.ge [sflag:s21], s19  }
0x9f: {  	s5 =	ssub.s32 $0x0, s19;
	[sflag:s21] =	ssyncset.done $0x0  }
0xa0: {  	[sflag:s21] =	ssyncadd.s32 s5;
	_ =	sdelay $0x1  }
0xa1: {  	s22 =	simm.s32 $0x1B8B  }
0xa2: {  	_ =	swait.ge [sflag:s22], $0x1  }
0xa3: {  	[sflag:s22] =	ssyncset.done $0x0  }
0xa4: {  	s23 =	simm.s32 $0x1B8E;
	[sflag:s22] =	ssyncadd.s32 $0xFFFFFFFF  }
0xa5: {  	s24 =	simm.s32 $execute0_lowered;
	[smem:$0x3FD2] =	sst s23  }
0xa6: {  	s5 =	sshll.u32 s24, $0x1;
	_ =	strace $0x80000046;
	[dreg:$0x1] =	wrdreg $0xFFFFFFFF  }
0xa7: {  	s25 =	simm.s32 $_size_execute0_lowered;
	s4 =	sadd.s32 s4, s5;
	[dreg:$0x0] =	wrdreg $0x0  }
0xa8: {  	s5 =	sshll.u32 s25, $0x1;
	[dreg:$0x2] =	wrdreg s4  }
0xa9: {  	[dreg:$0x3] =	wrdreg s5  }
0xaa: {  	[dreg:$0x4] =	wrdreg $0xC0  }
0xab: {  	_ =	task [dreg:s8], $0x5FFFF  }
0xac: {  	[dreg:$0x1] =	wrdreg $0xFFFFFFFF  }
0xad: {  	[dreg:$0x0] =	wrdreg $0x60  }
0xae: {  	[dreg:$0x2] =	wrdreg s0  }
0xaf: {  	[dreg:$0x3] =	wrdreg s17  }
0xb0: {  	[dreg:$0x4] =	wrdreg s2  }
0xb1: {  	[dreg:$0x5] =	wrdreg s3  }
0xb2: {  	[dreg:$0x6] =	wrdreg $0x9  }
0xb3: {  	_ =	task.clear_ibuf [dreg:s8], $0x7FFFF;
	_ =	strace $0x90000046  }
0xb4: {  	s26 =	simm.s32 $0x9;
	_ =	strace $0x80000048  }
0xb5: {  	_ =	swait.ge [sflag:s26], $0x1  }
0xb6: {  	[sflag:s26] =	ssyncadd.s32 $0xFFFFFFFF  }
0xb7: {  	_ =	strace $0x90000048  }
0xb8: {  	_ =	sfence  }
0xb9: {  	s28 =	sld [smem:$0x0];
	_ =	sdelay $0x1  }
0xba: {  	s29 =	srdreg.scid  }
0xbb: {  	s30 =	sshll.u32 s29, $0xD;
	s31 =	sshrl.u32 s29, $0x2  }
0xbc: {  	s1 =	sand.u32 $0x1, s29;
	s2 =	sand.u32 $0x4000, s30;
	s0 =	sadd.s32 s31, s28  }
0xbd: {  	s1 =	sor.u32 s2, s1;
	s0 =	sshll.u32 s0, $0x11  }
0xbe: {  	s0 =	sor.u32 s0, s1  }
0xbf: {  	s0 =	sadd.s32 $0x8F2B, s0  }
0xc0: {  	[sflag:s0] =	ssyncadd.remote.s32 $0x1  }
0xc1: {  	_ =	sfence.sel $0xFFFF  }
0xc2: {  	[dreg:$0x0] =	wrdreg $0xFFFFFFFF;
	(pc) =	sbr.abs _section_cstart, $3  }
0xc3: {  	[dreg:$0x1] =	wrdreg $0xFFFFFFFF  }
0xc4: {  	_ =	task.clear_ibuf [dreg:s8], $0x2FFFF;
	_ =	strace $0x9FFFFFFF  }
0xc5: {  	(tm) =	ssettm $0x7FFFFFFF  }
tec
execute0_lowered:
.L_overlay_start_1:
0x0: {  	(tag) =	ssettag $0x1  }
0x1: {  	s1 =	stileid.u32  }
0x2: {  	s4 =	rddreg [dreg:$0x0];
	p0 =	sgt.u32 s1, $0x7  }
.Ltmp0:
0x3: {  	s22 =	rddreg [dreg:$0x1];
	(pc) =	sbr.rel @p0 .LBB2_2-.Ltmp0, $4  }
0x4: {  	s21 =	rddreg [dreg:$0x2]  }
0x5: {  	s3 =	rddreg [dreg:$0x3];
	s2 =	simm.s32 $0x0  }
0x6: {  	[smem:$0x7FF] =	sst s2  }
0x7: {  	s0 =	rddreg [dreg:$0x4];
	_ =	strace $0x80000047  }
0x8: {  	[tilespmem:s2], [sflag:$0x2] =	stream.linear.gather [hbm4b:s4+s2], $0x80, $0x38;
	[tilespmem:$0x280] =	vst v63  }
0x9: {  	s4 =	simm.s32 $0x2  }
0xa: {  	_ =	swait.ge [sflag:s4], $0x80  }
0xb: {  	[sflag:s4] =	ssyncset.done $0x0  }
0xc: {  	[sflag:s4] =	ssyncadd.s32 $0xFFFFFF80  }
0xd: {  	v0 =	vld [tilespmem:$0x0];
	_ =	sdelay $0x4  }
0xe: {  	(v2sf) =	vpush v0, $0x0  }
0xf: {  	(v2sf) =	vpush v0, $0x1  }
0x10: {  	(v2sf) =	vpush v0, $0x2  }
0x11: {  	(v2sf) =	vpush v0, $0x3  }
0x12: {  	(v2sf) =	vpush v0, $0x4  }
0x13: {  	(v2sf) =	vpush v0, $0x5;
	_ =	sdelay $0x3  }
0x14: {  	(v2sf) =	vpush v0, $0x6  }
0x15: {  	(v2sf) =	vpush v0, $0x7  }
0x16: {  	(v2sf) =	vpush v0, $0x8;
	_ =	sdelay $0x1  }
0x17: {  	(v2sf) =	vpush v0, $0x9  }
0x18: {  	s12 =	simm.s32 $0x1  }
0x19: {  	s13 =	simm.s32 $0x2;
	s15 =	simm.s32 $0x4;
	s7 =	spop (v2sf);
	(v2sf) =	vpush v0, $0xA  }
0x1a: {  	s16 =	simm.s32 $0x8;
	s17 =	simm.s32 $0x10;
	s5 =	spop (v2sf);
	(v2sf) =	vpush v0, $0xB  }
0x1b: {  	s18 =	simm.s32 $0x20;
	s20 =	simm.s32 $0x40;
	s6 =	spop (v2sf);
	(v2sf) =	vpush v0, $0xC  }
0x1c: {  	s23 =	simm.s32 $0x80;
	p0 =	sgt.f32 s7, $0.0e+00;
	s9 =	spop (v2sf);
	(v2sf) =	vpush v0, $0xD  }
0x1d: {  	s24 =	simm.s32 $0x100;
	p1 =	sgt.f32 s5, $0.0e+00;
	s10 =	spop (v2sf);
	(v2sf) =	vpush v0, $0xE  }
0x1e: {  	s26 =	simm.s32 $0x400;
	p2 =	sgt.f32 s6, $0.0e+00;
	s8 =	spop (v2sf);
	(v2sf) =	vpush v0, $0xF  }
0x1f: {  	s28 =	simm.s32 $0x1000;
	s12 =	simm.s32 @!p0 $0x0;
	p0 =	sgt.f32 s9, $0.0e+00  }
0x20: {  	s13 =	simm.s32 @!p1 $0x0;
	s15 =	simm.s32 @!p2 $0x0;
	p1 =	sgt.f32 s10, $0.0e+00  }
0x21: {  	s19 =	sor.u32 s12, s13;
	p2 =	sgt.f32 s8, $0.0e+00;
	s16 =	simm.s32 @!p0 $0x0  }
0x22: {  	s11 =	spop (v2sf);
	s25 =	sor.u32 s15, s19;
	s19 =	simm.s32 $0x200  }
0x23: {  	s17 =	simm.s32 @!p1 $0x0;
	p0 =	sgt.f32 s11, $0.0e+00;
	s12 =	spop (v2sf)  }
0x24: {  	s18 =	simm.s32 @!p2 $0x0;
	p1 =	sgt.f32 s12, $0.0e+00;
	s13 =	spop (v2sf)  }
0x25: {  	s16 =	sor.u32 s17, s16;
	s20 =	simm.s32 @!p0 $0x0;
	p0 =	sgt.f32 s13, $0.0e+00  }
0x26: {  	s14 =	spop (v2sf);
	s23 =	simm.s32 @!p1 $0x0;
	s16 =	sor.u32 s20, s16  }
0x27: {  	s24 =	simm.s32 @!p0 $0x0;
	p0 =	sgt.f32 s14, $0.0e+00;
	s16 =	sor.u32 s18, s16  }
0x28: {  	s31 =	sor.u32 s23, s16;
	s23 =	simm.s32 $0x800;
	s15 =	spop (v2sf)  }
0x29: {  	s19 =	simm.s32 @!p0 $0x0;
	s20 =	sor.u32 s24, s31;
	s18 =	spop (v2sf)  }
0x2a: {  	s24 =	simm.s32 $0x2000;
	p1 =	sgt.f32 s18, $0.0e+00;
	s17 =	spop (v2sf)  }
0x2b: {  	s29 =	sor.u32 s19, s20;
	p2 =	sgt.f32 s17, $0.0e+00;
	s16 =	spop (v2sf)  }
0x2c: {  	s23 =	simm.s32 @!p1 $0x0;
	p1 =	sgt.f32 s16, $0.0e+00;
	s20 =	spop (v2sf)  }
0x2d: {  	p0 =	sgt.f32 s15, $0.0e+00;
	s28 =	simm.s32 @!p2 $0x0;
	s19 =	spop (v2sf)  }
0x2e: {  	s24 =	simm.s32 @!p1 $0x0;
	p1 =	sgt.f32 s20, $0.0e+00;
	s23 =	sor.u32 s23, s28  }
0x2f: {  	p2 =	sgt.f32 s19, $0.0e+00;
	s23 =	sor.u32 s24, s23;
	s24 =	simm.s32 $0x4000  }
0x30: {  	s26 =	simm.s32 @!p0 $0x0;
	s28 =	simm.s32 $0x8000;
	s24 =	simm.s32 @!p1 $0x0  }
0x31: {  	s26 =	sor.u32 s26, s29;
	s28 =	simm.s32 @!p2 $0x0;
	s23 =	sor.u32 s24, s23  }
0x32: {  	s29 =	sor.u32 s25, s26;
	s23 =	sor.u32 s28, s23  }
0x33: {  	s23 =	sadd.s32 s29, s23  }
0x34: {  	s30 =	sand.u32 $0x3FFFF8, s23  }
0x35: {  	s26 =	sor.u32 s1, s30  }
0x36: {  	s25 =	sshll.u32 s25, $0x4;
	s24 =	sand.u32 $0x7, s29;
	s26 =	sshll.u32 s26, $0x7  }
0x37: {  	p6 =	sne.s32 s24, $0x0;
	p5 =	seq.s32 s23, $0x0;
	s25 =	sor.u32 s25, s26  }
0x38: {  	s31 =	simm.s32 $0x100;
	p0 =	por !p6, !p5;
	s22 =	sadd.s32 s22, s25  }
0x39: {  	[tilespmem:s31], [sflag:$0x1] =	stream.linear.gather [hbm4b:s22+s2], $0x80, $0x38;
	[tilespmem:$0x280] =	vst v63  }
0x3a: {  	p0 =	por !p0, !p0;
	s22 =	simm.s32 $0xFFFFFFFF  }
0x3b: {  	s22 =	simm.s32 @!p0 $0x0  }
0x3c: {  	s22 =	sshll.u32 s22, $0x3  }
0x3d: {  	s22 =	sadd.s32 s23, s22  }
0x3e: {  	s22 =	sand.u32 $0xFFFFFFF8, s22  }
0x3f: {  	p0 =	slt.s32 s22, $0xFFF0  }
0x40: {  	s22 =	simm.s32 @!p0 $0xFFF0  }
0x41: {  	s25 =	sshrl.u32 s22, $0x3  }
0x42: {  	s26 =	simm.s32 $0x80;
	s21 =	sadd.s32 s21, s25  }
0x43: {  	[tilespmem:s26], [sflag:$0x2] =	stream.linear.gather [hbm4b:s21+s2], $0x10, $0x38;
	[tilespmem:$0x280] =	vst v63  }
0x44: {  	_ =	swait.ge [sflag:s4], $0x10  }
0x45: {  	[sflag:s4] =	ssyncset.done $0x0  }
0x46: {  	[sflag:s4] =	ssyncadd.s32 $0xFFFFFFF0  }
0x47: {  	v52 =	vld [tilespmem:$0x80];
	_ =	sdelay $0x4  }
0x48: {  	(v2sf) =	vpush v52, $0x0  }
0x49: {  	(v2sf) =	vpush v52, $0x1;
	_ =	sdelay $0x1  }
0x4a: {  	(v2sf) =	vpush v52, $0x2  }
0x4b: {  	(v2sf) =	vpush v52, $0x3;
	_ =	sdelay $0x1  }
0x4c: {  	(v2sf) =	vpush v52, $0x4  }
0x4d: {  	(v2sf) =	vpush v52, $0x5;
	_ =	sdelay $0x1  }
0x4e: {  	(v2sf) =	vpush v52, $0x6  }
0x4f: {  	(v2sf) =	vpush v52, $0x7;
	_ =	sdelay $0x1  }
0x50: {  	(v2sf) =	vpush v52, $0x8  }
0x51: {  	(v2sf) =	vpush v52, $0x9;
	_ =	sdelay $0x1  }
0x52: {  	s28 =	ssub.s32 s23, s22;
	s24 =	spop (v2sf);
	(v2sf) =	vpush v52, $0xA  }
0x53: {  	p0 =	seq.s32 s23, s22;
	p1 =	seq.s32 s28, $0x1;
	s22 =	spop (v2sf);
	(v2sf) =	vpush v52, $0xB  }
0x54: {  	s24 =	simm.s32 @!p0 $0x0;
	s22 =	simm.s32 @!p1 $0x0  }
0x55: {  	p0 =	seq.s32 s28, $0x2;
	s23 =	spop (v2sf);
	(v2sf) =	vpush v52, $0xC;
	s22 =	sadd.s32 s24, s22  }
0x56: {  	s23 =	simm.s32 @!p0 $0x0;
	p0 =	seq.s32 s28, $0x3;
	s24 =	spop (v2sf);
	(v2sf) =	vpush v52, $0xD  }
0x57: {  	s22 =	sadd.s32 s23, s22;
	s24 =	simm.s32 @!p0 $0x0  }
0x58: {  	p0 =	seq.s32 s28, $0x4;
	s23 =	spop (v2sf);
	(v2sf) =	vpush v52, $0xE;
	s22 =	sadd.s32 s24, s22  }
0x59: {  	s23 =	simm.s32 @!p0 $0x0;
	p0 =	seq.s32 s28, $0x5;
	s24 =	spop (v2sf);
	(v2sf) =	vpush v52, $0xF  }
0x5a: {  	s22 =	sadd.s32 s23, s22;
	s24 =	simm.s32 @!p0 $0x0  }
0x5b: {  	s23 =	spop (v2sf);
	p0 =	seq.s32 s28, $0x6;
	s22 =	sadd.s32 s24, s22  }
0x5c: {  	s24 =	spop (v2sf);
	s23 =	simm.s32 @!p0 $0x0;
	p0 =	seq.s32 s28, $0x7  }
0x5d: {  	s22 =	sadd.s32 s23, s22;
	s24 =	simm.s32 @!p0 $0x0  }
0x5e: {  	s23 =	spop (v2sf);
	p0 =	seq.s32 s28, $0x8;
	s22 =	sadd.s32 s24, s22  }
0x5f: {  	s24 =	spop (v2sf);
	s23 =	simm.s32 @!p0 $0x0;
	p0 =	seq.s32 s28, $0x9  }
0x60: {  	s22 =	sadd.s32 s23, s22;
	s24 =	simm.s32 @!p0 $0x0  }
0x61: {  	p0 =	seq.s32 s28, $0xA;
	s22 =	sadd.s32 s24, s22;
	s23 =	spop (v2sf)  }
0x62: {  	s24 =	spop (v2sf);
	s23 =	simm.s32 @!p0 $0x0;
	p0 =	seq.s32 s28, $0xB  }
0x63: {  	s22 =	sadd.s32 s23, s22;
	s24 =	simm.s32 @!p0 $0x0  }
0x64: {  	s23 =	spop (v2sf);
	p0 =	seq.s32 s28, $0xC;
	s22 =	sadd.s32 s24, s22  }
0x65: {  	s24 =	spop (v2sf);
	s23 =	simm.s32 @!p0 $0x0;
	p0 =	seq.s32 s28, $0xD  }
0x66: {  	s22 =	sadd.s32 s23, s22;
	s24 =	simm.s32 @!p0 $0x0  }
0x67: {  	s23 =	spop (v2sf);
	p0 =	seq.s32 s28, $0xE;
	s22 =	sadd.s32 s24, s22  }
0x68: {  	s23 =	simm.s32 @!p0 $0x0;
	p0 =	seq.s32 s28, $0xF;
	s21 =	spop (v2sf)  }
0x69: {  	s22 =	sadd.s32 s23, s22;
	s21 =	simm.s32 @!p0 $0x0  }
0x6a: {  	s7 =	sadd.f32 $0.0e+00, s7;
	s21 =	sadd.s32 s21, s22  }
0x6b: {  	p0 =	seq.s32 s21, $0x0;
	p1 =	seq.s32 s21, $0x1  }
0x6c: {  	s7 =	simm.s32 @!p0 $0x0;
	s5 =	simm.s32 @!p1 $0x0  }
0x6d: {  	p0 =	seq.s32 s21, $0x2;
	s5 =	sadd.f32 s5, s7  }
0x6e: {  	s6 =	simm.s32 @!p0 $0x0  }
0x6f: {  	p0 =	seq.s32 s21, $0x3;
	s5 =	sadd.f32 s5, s6  }
0x70: {  	s9 =	simm.s32 @!p0 $0x0  }
0x71: {  	p0 =	seq.s32 s21, $0x4;
	s5 =	sadd.f32 s5, s9  }
0x72: {  	s10 =	simm.s32 @!p0 $0x0  }
0x73: {  	p0 =	seq.s32 s21, $0x5;
	s5 =	sadd.f32 s5, s10  }
0x74: {  	s8 =	simm.s32 @!p0 $0x0  }
0x75: {  	p0 =	seq.s32 s21, $0x6;
	s5 =	sadd.f32 s5, s8  }
0x76: {  	s11 =	simm.s32 @!p0 $0x0  }
0x77: {  	p0 =	seq.s32 s21, $0x7;
	s5 =	sadd.f32 s5, s11  }
0x78: {  	s12 =	simm.s32 @!p0 $0x0  }
0x79: {  	p0 =	seq.s32 s21, $0x8;
	s5 =	sadd.f32 s5, s12  }
0x7a: {  	s13 =	simm.s32 @!p0 $0x0  }
0x7b: {  	p0 =	seq.s32 s21, $0x9;
	s5 =	sadd.f32 s5, s13  }
0x7c: {  	s14 =	simm.s32 @!p0 $0x0  }
0x7d: {  	p0 =	seq.s32 s21, $0xA;
	s5 =	sadd.f32 s5, s14  }
0x7e: {  	s15 =	simm.s32 @!p0 $0x0  }
0x7f: {  	p0 =	seq.s32 s21, $0xB;
	s5 =	sadd.f32 s5, s15  }
0x80: {  	s18 =	simm.s32 @!p0 $0x0  }
0x81: {  	p0 =	seq.s32 s21, $0xC;
	s5 =	sadd.f32 s5, s18  }
0x82: {  	s29 =	simm.s32 $0x1;
	s17 =	simm.s32 @!p0 $0x0  }
0x83: {  	_ =	swait.ge [sflag:s29], $0x80;
	p0 =	seq.s32 s21, $0xD;
	s5 =	sadd.f32 s5, s17  }
0x84: {  	[sflag:s29] =	ssyncset.done $0x0;
	s16 =	simm.s32 @!p0 $0x0  }
0x85: {  	[sflag:s29] =	ssyncadd.s32 $0xFFFFFF80;
	p0 =	seq.s32 s21, $0xE;
	s5 =	sadd.f32 s5, s16  }
0x86: {  	v53 =	vld [tilespmem:$0x100];
	s20 =	simm.s32 @!p0 $0x0  }
0x87: {  	v1 =	vld [tilespmem:$0x110];
	p0 =	seq.s32 s21, $0xF;
	s5 =	sadd.f32 s5, s20  }
0x88: {  	v2 =	vld [tilespmem:$0x120];
	s19 =	simm.s32 @!p0 $0x0  }
0x89: {  	v3 =	vld [tilespmem:$0x130];
	s5 =	sadd.f32 s5, s19  }
0x8a: {  	v4 =	vld [tilespmem:$0x140]  }
0x8b: {  	v0 =	vadd.f32 s5, v53  }
0x8c: {  	v1 =	vadd.f32 s5, v1  }
0x8d: {  	v2 =	vadd.f32 s5, v2;
	v0 =	vmul.f32 $7.071067690e-01, v0  }
0x8e: {  	v3 =	vadd.f32 s5, v3;
	v1 =	vmul.f32 $7.071067690e-01, v1  }
0x8f: {  	v4 =	vadd.f32 s5, v4;
	v2 =	vmul.f32 $7.071067690e-01, v2;
	[tilespmem:$0x180] =	vst v0  }
0x90: {  	v54 =	vld [tilespmem:$0x150];
	v3 =	vmul.f32 $7.071067690e-01, v3;
	[tilespmem:$0x190] =	vst v1  }
0x91: {  	v56 =	vld [tilespmem:$0x160];
	v4 =	vmul.f32 $7.071067690e-01, v4;
	[tilespmem:$0x1A0] =	vst v2  }
0x92: {  	v58 =	vld [tilespmem:$0x170];
	v5 =	vsub.f32 $0.0e+00, v0;
	[tilespmem:$0x1B0] =	vst v3  }
0x93: {  	v55 =	vsub.f32 $0.0e+00, v1;
	[tilespmem:$0x1C0] =	vst v4  }
0x94: {  	v57 =	vsub.f32 $0.0e+00, v2;
	[tilespmem:$0x200] =	vst v5  }
0x95: {  	v59 =	vsub.f32 $0.0e+00, v3;
	v0 =	vadd.f32 s5, v54;
	[tilespmem:$0x210] =	vst v55  }
0x96: {  	v60 =	vsub.f32 $0.0e+00, v4;
	v1 =	vadd.f32 s5, v56;
	[tilespmem:$0x220] =	vst v57  }
0x97: {  	v2 =	vadd.f32 s5, v58;
	[tilespmem:$0x230] =	vst v59;
	v0 =	vmul.f32 $7.071067690e-01, v0  }
0x98: {  	[tilespmem:$0x240] =	vst v60;
	v1 =	vmul.f32 $7.071067690e-01, v1  }
0x99: {  	v2 =	vmul.f32 $7.071067690e-01, v2;
	[tilespmem:$0x1D0] =	vst v0  }
0x9a: {  	v61 =	vsub.f32 $0.0e+00, v0;
	[tilespmem:$0x1E0] =	vst v1  }
0x9b: {  	v62 =	vsub.f32 $0.0e+00, v1;
	[tilespmem:$0x1F0] =	vst v2  }
0x9c: {  	v63 =	vsub.f32 $0.0e+00, v2;
	[tilespmem:$0x250] =	vst v61  }
0x9d: {  	s30 =	sshll.u32 s1, $0x5;
	[tilespmem:$0x260] =	vst v62  }
0x9e: {  	s3 =	sadd.s32 s3, s30;
	s31 =	simm.s32 $0x180;
	[tilespmem:$0x270] =	vst v63  }
0x9f: {  	[hbm4b:s3+s2] =	stream.linear.scatter [tilespmem:s31], [sflag:$0x2], $0x100, $0x38;
	[tilespmem:$0x280] =	vst v63  }
0xa0: {  	_ =	swait.ge [sflag:s4], $0x100  }
0xa1: {  	[sflag:s4] =	ssyncset.done $0x0  }
0xa2: {  	[sflag:s4] =	ssyncadd.s32 $0xFFFFFF00  }
.LBB2_2:
0xa3: {  	_ =	sfence.sel $0x180000  }
0xa4: {  	[bflag:$0x0] =	sbarrier.arrive $0xFFFF  }
0xa5: {  	p0 =	sne.s32 s1, $0x0;
	_ =	strace $0x90000047  }
0xa6: {  	s0 =	sadd.s32 @!p0 $0x100000, s0;
	[bflag:$0x2] =	sbarrier.arrive $0xFFFF  }
0xa7: {  	[sflag:s0] =	ssyncadd.tile.s32 @!p0 $0x1;
	_ =	shalt  }
.Lfunc_end2:
_tile_overlayer_lowered:
.L_overlay_start_2:
0xa8: {  	(tag) =	ssettag $0x2  }
0xa9: {  	s0 =	rddreg [dreg:$0x0];
	s2 =	stileid.u32  }
0xaa: {  	s1 =	rddreg [dreg:$0x1];
	p0 =	sne.s32 s2, $0x0  }
0xab: {  	s3 =	rddreg [dreg:$0x2];
	[bflag:$0x3] =	sbarrier.arrive $0xFFFF;
	s2 =	simm.s32 @!p0 $0x1C02  }
0xac: {  	[timem:s3], [sflag:s2] =	dma.local @!p0 [hbm:s0], s1  }
0xad: {  	s0 =	simm.s32 @!p0 $0x2  }
0xae: {  	_ =	swait.ge @!p0 [sflag:s0], s1  }
0xaf: {  	s1 =	ssub.s32 @!p0 $0x0, s1;
	[sflag:s0] =	ssyncset.done @!p0 $0x0  }
0xb0: {  	[sflag:s0] =	ssyncadd.s32 @!p0 s1  }
0xb1: {  	[bflag:$0x3] =	sbarrier.arrive $0xFFFF  }
0xb2: {  	_ =	shalt  }

</sc_bundles>
